<compile_context>
chip_gen: v7x
topology: tpu7x:2x2x1
jax: 0.10.2.dev20260603
libtpu: 0.0.44.dev20260713+nightly
codegen_flags: <defaults>
</compile_context>

<pallas_src>
import functools
import math

import jax
import jax.numpy as jnp
from jax import lax
from jax.experimental import pallas as pl
from jax.experimental.pallas import tpu as pltpu
from jax.experimental.pallas import tpu_sc as plsc

_N = 524288
_N_IMAGES = 4096
_N_REFL = 65536
_H = 32
_S = 32
_BLK = 256
_NBLK = _N // _BLK
_TB = 2048
_ACC_ROWS = _N_IMAGES + _BLK
_NCOL = 16
_LOG2PI = math.log(2.0 * math.pi)

_SC_WORKERS = 32
_SC_CHUNK = 32768


def _softplus(x):
    return jnp.maximum(x, 0.0) + jnp.log1p(jnp.exp(-jnp.abs(x)))


def _table_body(eps_ref, ql_ref, qr_ref, tab_ref, kl_ref):
    e = eps_ref[...]
    ql = ql_ref[...]
    qs = _softplus(qr_ref[...])
    e1 = jnp.sum(e, axis=0, keepdims=True)
    e2 = jnp.sum(e * e, axis=0, keepdims=True)
    s1 = _S * ql + qs * e1
    s2 = _S * ql * ql + 2.0 * ql * qs * e1 + qs * qs * e2
    tab_ref[...] = jnp.concatenate([ql, qs, s1, s2], axis=0)
    klt = -jnp.log(qs) + 0.5 * (qs * qs + ql * ql) - 0.5

    @pl.when(pl.program_id(0) == 0)
    def _():
        kl_ref[...] = jnp.zeros_like(kl_ref)

    kl_ref[...] += jnp.sum(klt).reshape(1, 1)


def _build_table(eps, q_loc, q_raw_scale):
    grid = _N_REFL // _TB
    tab4, klsum = pl.pallas_call(
        _table_body,
        grid=(grid,),
        in_specs=[
            pl.BlockSpec((_S, _TB), lambda i: (0, i)),
            pl.BlockSpec((1, _TB), lambda i: (0, i)),
            pl.BlockSpec((1, _TB), lambda i: (0, i)),
        ],
        out_specs=[
            pl.BlockSpec((4, _TB), lambda i: (0, i)),
            pl.BlockSpec((1, 1), lambda i: (0, 0)),
        ],
        out_shape=[
            jax.ShapeDtypeStruct((4, _N_REFL), jnp.float32),
            jax.ShapeDtypeStruct((1, 1), jnp.float32),
        ],
    )(eps, q_loc.reshape(1, _N_REFL), q_raw_scale.reshape(1, _N_REFL))
    return tab4, klsum


def _sc_gather(table_lin, idx4):
    m4 = idx4.shape[0]
    per_w = m4 // _SC_WORKERS
    n_chunks = per_w // _SC_CHUNK
    mesh = plsc.VectorSubcoreMesh(core_axis_name="c", subcore_axis_name="s")

    @functools.partial(
        pl.kernel,
        mesh=mesh,
        out_type=jax.ShapeDtypeStruct((m4,), jnp.float32),
        scratch_types=[
            pltpu.VMEM((_SC_CHUNK,), jnp.int32),
            pltpu.VMEM((_SC_CHUNK,), jnp.float32),
            pltpu.VMEM_SHARED((_N_REFL * 4,), jnp.float32),
            pltpu.SemaphoreType.DMA,
        ],
    )
    def k(table_hbm, idx_hbm, out_hbm, idx_v, rows_v, tab_sh, sem):
        c = lax.axis_index("c")
        s = lax.axis_index("s")
        wid = s * 2 + c
        base = wid * per_w

        @pl.when(s == 0)
        def _():
            pltpu.sync_copy(table_hbm, tab_sh)

        plsc.subcore_barrier()

        def body(i, carry):
            off = base + i * _SC_CHUNK
            pltpu.sync_copy(idx_hbm.at[pl.ds(off, _SC_CHUNK)], idx_v)
            pltpu.async_copy(tab_sh.at[idx_v], rows_v, sem).wait()
            pltpu.sync_copy(rows_v, out_hbm.at[pl.ds(off, _SC_CHUNK)])
            return carry

        lax.fori_loop(0, n_chunks, body, 0)

    return k(table_lin, idx4)


def _main_body(gp_ref, gm_ref, obs_ref, seg_ref, base_ref, img_ref,
               w1_ref, b1_ref, w2_ref, b2_ref, acc_ref):
    pid = pl.program_id(0)
    base = base_ref[pid]

    segs = seg_ref[0]
    local = segs - base
    iota0 = lax.broadcasted_iota(jnp.int32, (_BLK, _BLK), 0)
    q = (local == iota0).astype(jnp.float32)

    img_slice = img_ref[pl.ds(base, _BLK), :]
    img_obs = lax.dot_general(q, img_slice, (((0,), (0,)), ((), ())),
                              preferred_element_type=jnp.float32)

    ob = obs_ref[...]
    xi = ob[:, 0:1]
    sig = ob[:, 1:2]
    gp = gp_ref[0]
    gm = gm_ref[0]
    w1 = w1_ref[...]
    b1 = b1_ref[...]
    w2 = w2_ref[...]
    b2 = b2_ref[...]

    def mlp_scale(g):
        feat = jnp.concatenate([g[:, 0:2], ob, img_obs], axis=1)
        h = jnp.tanh(jnp.dot(feat, w1, preferred_element_type=jnp.float32) + b1)
        r = jnp.dot(h, w2, preferred_element_type=jnp.float32) + b2
        return _softplus(r)

    scp = mlp_scale(gp)
    scm = mlp_scale(gm)

    w = 1.0 / (sig * sig)
    lsig = jnp.log(sig)

    def ll_row(sc, g):
        s1 = g[:, 2:3]
        s2 = g[:, 3:4]
        quad = sc * sc * s2 - 2.0 * xi * sc * s1 + _S * xi * xi
        return -0.5 * w * quad - _S * lsig - (_S / 2.0) * _LOG2PI

    llp = ll_row(scp, gp)
    llm = ll_row(scm, gm)
    yp = scp * gp[:, 2:3] * (1.0 / _S)
    ym = scm * gm[:, 2:3] * (1.0 / _S)

    zero = jnp.zeros((_BLK, _NCOL - 11), jnp.float32)
    vals = jnp.concatenate(
        [llp, llm, w * yp, w * ym, w * yp * yp, w * ym * ym,
         w * xi * yp, w * xi * ym, w, w * xi, w * xi * xi, zero], axis=1)

    vhi = vals.astype(jnp.bfloat16).astype(jnp.float32)
    vlo = vals - vhi
    dn = (((1,), (0,)), ((), ()))
    part = (lax.dot_general(q, vhi, dn, preferred_element_type=jnp.float32)
            + lax.dot_general(q, vlo, dn, preferred_element_type=jnp.float32))

    @pl.when(pid == 0)
    def _():
        acc_ref[...] = jnp.zeros_like(acc_ref)

    acc_ref[pl.ds(base, _BLK), :] += part


def _main_pass(g2, obs, seg3, seg_base, img_pad, w1, b1, w2, b2):
    acc = pl.pallas_call(
        _main_body,
        grid=(_NBLK,),
        in_specs=[
            pl.BlockSpec((1, _BLK, 4), lambda i: (0, i, 0)),
            pl.BlockSpec((1, _BLK, 4), lambda i: (1, i, 0)),
            pl.BlockSpec((_BLK, 8), lambda i: (i, 0)),
            pl.BlockSpec((1, 1, _BLK), lambda i: (i, 0, 0)),
            pl.BlockSpec(memory_space=pltpu.SMEM),
            pl.BlockSpec((_ACC_ROWS, 8), lambda i: (0, 0)),
            pl.BlockSpec((18, _H), lambda i: (0, 0)),
            pl.BlockSpec((1, _H), lambda i: (0, 0)),
            pl.BlockSpec((_H, 1), lambda i: (0, 0)),
            pl.BlockSpec((1, 1), lambda i: (0, 0)),
        ],
        out_specs=pl.BlockSpec((_ACC_ROWS, _NCOL), lambda i: (0, 0)),
        out_shape=jax.ShapeDtypeStruct((_ACC_ROWS, _NCOL), jnp.float32),
    )(g2, g2, obs, seg3, seg_base, img_pad, w1, b1, w2, b2)
    return acc


def kernel(hkl, I, SigI, image_id, metadata, wavelength, dHKL, mc_samples,
           q_loc, q_raw_scale, img_emb, W1, b1, W2, b2):
    h = hkl[:, 0].astype(jnp.int32)
    k = hkl[:, 1].astype(jnp.int32)
    l = hkl[:, 2].astype(jnp.int32)
    sh = h * 1000003 + k * 10007 + l * 101
    rp = jnp.mod(sh, _N_REFL).astype(jnp.int32)
    rm = jnp.mod(-sh, _N_REFL).astype(jnp.int32)
    idx_all = jnp.concatenate([rp, rm], axis=0)

    im = image_id.astype(jnp.int32)
    step = (im[1:] != im[:-1]).astype(jnp.int32)
    seg = jnp.concatenate([jnp.zeros((1,), jnp.int32), jnp.cumsum(step)])
    seg = seg.astype(jnp.int32)
    seg_base = seg[:: _BLK]
    seg3 = seg.reshape(_NBLK, 1, _BLK)

    obs = jnp.concatenate(
        [I, SigI, metadata, wavelength, 1.0 / jnp.square(dHKL)], axis=1)

    img_pad = jnp.zeros((_ACC_ROWS, 8), jnp.float32).at[:_N_IMAGES].set(img_emb)

    eps = jax.random.normal(jax.random.key(42), (_S, _N_REFL), dtype=jnp.float32)
    tab4, klsum = _build_table(eps, q_loc, q_raw_scale)
    table = tab4.T
    kl_div = klsum[0, 0] / _N_REFL

    idx4 = (idx_all[:, None] * 4 + jnp.arange(4, dtype=jnp.int32)[None, :]).reshape(-1)
    g = _sc_gather(table.reshape(-1), idx4)
    g2 = g.reshape(2, _N, 4)

    acc = _main_pass(g2, obs, seg3, seg_base, img_pad,
                     W1, b1.reshape(1, _H), W2, b2.reshape(1, 1))
    a = acc[:_N_IMAGES]

    llp = a[:, 0] / _S
    llm = a[:, 1] / _S
    op_idx = (llm > llp).astype(jnp.int32)
    ll_max = jnp.maximum(llp, llm)
    elbo = -jnp.mean(ll_max) + kl_div

    sel = op_idx.astype(bool)
    swy = jnp.sum(jnp.where(sel, a[:, 3], a[:, 2]))
    swy2 = jnp.sum(jnp.where(sel, a[:, 5], a[:, 4]))
    swxy = jnp.sum(jnp.where(sel, a[:, 7], a[:, 6]))
    sw = jnp.sum(a[:, 8])
    swx = jnp.sum(a[:, 9])
    swx2 = jnp.sum(a[:, 10])
    zi = 1.0 / sw
    mx = zi * swx
    my = zi * swy
    cxy = zi * swxy - mx * my
    cx = zi * swx2 - mx * mx
    cy = zi * swy2 - my * my
    cc = cxy / jnp.sqrt(cx * cy)

    return elbo, cc, op_idx

# --- scband reference (transcript-rebuilt; emitter-appended) ---
"""Pipeline reference for scband-merging-model-76244259438723 (READ-ONLY COPY).

The authoritative reference and input builder live on the scoring server;
editing this copy changes nothing except your own understanding.
"""

import jax, jax.numpy as jnp
import numpy as np

N = 524288
N_IMAGES = 4096
N_REFL = 65536
D_META = 4
D_IMG = 8
H = 32
KL_WEIGHT = 1.0


def reciprocal_asu(hkl):
    h, k, l = hkl[:, 0], hkl[:, 1], hkl[:, 2]
    return jnp.mod(h * 1000003 + k * 10007 + l * 101, N_REFL)


def weighted_pearson(x, y, w):
    z = 1.0 / w.sum(-1)
    mx = z * (w * x).sum(-1)
    my = z * (w * y).sum(-1)
    dx = x - mx[..., None]
    dy = y - my[..., None]
    cxy = z * (w * dx * dy).sum(-1)
    cx = z * (w * dx * dx).sum(-1)
    cy = z * (w * dy * dy).sum(-1)
    return cxy / jnp.sqrt(cx * cy)


def setup_inputs(seed: int = 0):
    key = jax.random.key(seed)
    ks = [jax.random.fold_in(key, i) for i in range(16)]
    hkl = jax.random.randint(ks[0], (N, 3), 0, 32)
    I = jax.random.normal(ks[1], (N, 1), dtype=jnp.float32)
    SigI = jax.random.uniform(ks[2], (N, 1), dtype=jnp.float32) + 0.1
    image_id = jnp.sort(jax.random.randint(ks[3], (N,), 0, N_IMAGES))
    metadata = jax.random.normal(ks[4], (N, D_META), dtype=jnp.float32)
    wavelength = jax.random.uniform(ks[5], (N, 1), dtype=jnp.float32) + 0.8
    dHKL = jax.random.uniform(ks[6], (N, 1), dtype=jnp.float32) + 0.7
    q_loc = 1.0 + 0.5 * jax.random.normal(ks[7], (N_REFL,), dtype=jnp.float32)
    q_raw_scale = 0.1 * jax.random.normal(ks[8], (N_REFL,), dtype=jnp.float32)
    img_emb = 0.1 * jax.random.normal(ks[9], (N_IMAGES, D_IMG), dtype=jnp.float32)
    d_in = 2 + 2 + (D_META + 2) + D_IMG
    W1 = jax.random.normal(ks[10], (d_in, H), dtype=jnp.float32) / np.sqrt(d_in)
    b1 = jnp.zeros((H,), dtype=jnp.float32)
    W2 = jax.random.normal(ks[11], (H, 1), dtype=jnp.float32) / np.sqrt(H)
    b2 = jnp.zeros((1,), dtype=jnp.float32)
    return {"hkl": hkl, "I": I, "SigI": SigI, "image_id": image_id,
            "metadata": metadata, "wavelength": wavelength, "dHKL": dHKL,
            "mc_samples": 32, "q_loc": q_loc, "q_raw_scale": q_raw_scale,
            "img_emb": img_emb, "W1": W1, "b1": b1, "W2": W2, "b2": b2}


def reference(hkl, I, SigI, image_id, metadata, wavelength, dHKL, mc_samples,
              q_loc, q_raw_scale, img_emb, W1, b1, W2, b2):
    uniq, image_id = jnp.unique(image_id, return_inverse=True, size=N_IMAGES,
                                fill_value=0)
    image_id = image_id.reshape(-1)
    n_images = int(uniq.shape[0])
    Iscale = jnp.concatenate((I, SigI), axis=-1)
    meta = jnp.concatenate([metadata, wavelength, 1.0 / jnp.square(dHKL)], axis=-1)
    q_scale = jax.nn.softplus(q_raw_scale)
    kl_div = jnp.mean(-jnp.log(q_scale) + 0.5 * (jnp.square(q_scale) + jnp.square(q_loc)) - 0.5)
    Imodel = jnp.stack([q_loc, q_scale], axis=-1)
    eps = jax.random.normal(jax.random.key(42), (32, N_REFL), dtype=jnp.float32)
    eps = eps * (mc_samples // mc_samples)
    z = q_loc[None, :] + q_scale[None, :] * eps
    ll_list = []
    ipred_list = []
    for op in (lambda t: t, lambda t: -t):
        _hkl = op(hkl)
        refl_id = reciprocal_asu(_hkl)
        _Imodel = Imodel[refl_id]
        feat = jnp.concatenate([_Imodel, Iscale, meta, img_emb[image_id]], axis=-1)
        hdd = jnp.tanh(feat @ W1 + b1)
        scale = jax.nn.softplus(hdd @ W2 + b2)
        _Ipred = z.T[refl_id] * scale
        _ll = -0.5 * jnp.square((_Ipred - I) / SigI) - jnp.log(SigI) - 0.5 * jnp.log(2.0 * jnp.pi)
        _ll = jax.ops.segment_sum(_ll, image_id, num_segments=n_images)
        _ll = _ll.mean(-1, keepdims=True)
        ll_list.append(_ll)
        ipred_list.append(_Ipred.mean(-1, keepdims=True))
    ll = jnp.concatenate(ll_list, axis=-1)
    op_idx = jnp.argmax(ll, axis=-1)
    ll_max = jnp.max(ll, axis=-1).mean()
    Ipred = jnp.concatenate(ipred_list, axis=-1)
    elbo = -ll_max + KL_WEIGHT * kl_div
    Ipred_sel = Ipred[jnp.arange(Ipred.shape[0]), op_idx[image_id]]
    w = 1.0 / jnp.square(SigI)
    cc = weighted_pearson(I.flatten(), Ipred_sel.flatten(), w.flatten())
    return elbo, cc, op_idx

if __name__ == "__main__":
    import jax
    _d = setup_inputs()
    print(jax.jit(kernel)(*tuple(_d.values())))

</pallas_src>

<mosaic_0001>
#map = affine_map<(d0, d1) -> (0)>
module attributes {stable_mosaic.version = 14 : i64} {
  func.func @k(%arg0: i32, %arg1: i32, %arg2: memref<262144xf32, #tpu.memory_space<hbm>>, %arg3: memref<4194304xi32, #tpu.memory_space<hbm>>, %arg4: memref<4194304xf32, #tpu.memory_space<hbm>>, %arg5: memref<32768xi32, #tpu.memory_space<vmem>>, %arg6: memref<32768xf32, #tpu.memory_space<vmem>>, %arg7: memref<262144xf32, #tpu.memory_space<vmem_shared>>, %arg8: memref<!tpu.dma_semaphore, #tpu.memory_space<semaphore_mem>>) attributes {dimension_semantics = [#tpu.dimension_semantics<core_parallel>, #tpu.dimension_semantics<subcore_parallel>], iteration_bounds = array<i64: 2, 16>, scalar_prefetch = 0 : i64, scratch_operands = 4 : i64, tpu.core_type = #tpu.core_type<sc_vector_subcore>, window_params = [{transform_indices = #map}, {transform_indices = #map}, {transform_indices = #map}]} {
    %mul3A = arith.constant 2 : i32
    %mul3A_0 = arith.muli %arg1, %mul3A : i32
    %add3A = arith.addi %mul3A_0, %arg0 : i32
    %mul3A_1 = arith.constant 131072 : i32
    %mul3A_2 = arith.muli %add3A, %mul3A_1 : i32
    %eq3A = arith.constant 0 : i32
    %eq3A_3 = arith.cmpi eq, %arg1, %eq3A : i32
    %convert_element_type3A = arith.extui %eq3A_3 : i1 to i32
    %cond3A = arith.constant 0 : i32
    %cond3A_4 = arith.cmpi ne, %convert_element_type3A, %cond3A : i32
    scf.if %cond3A_4 {
      "tpu.region"() ({
        %run_scoped3A = tpu.sem_alloc : memref<!tpu.dma_semaphore, #tpu.memory_space<semaphore_mem>>
        tpu.enqueue_dma source(%arg2 : memref<262144xf32, #tpu.memory_space<hbm>>) target(%arg7 : memref<262144xf32, #tpu.memory_space<vmem_shared>>) target_semaphore(%run_scoped3A : memref<!tpu.dma_semaphore, #tpu.memory_space<semaphore_mem>>)
        tpu.wait_dma2 semaphore(%run_scoped3A : memref<!tpu.dma_semaphore, #tpu.memory_space<semaphore_mem>>) src(%arg2 : memref<262144xf32, #tpu.memory_space<hbm>>) dst(%arg7 : memref<262144xf32, #tpu.memory_space<vmem_shared>>)
        tpu.yield
      }) : () -> ()
    } else {
    }
    %barrier3A = arith.constant 0 : index
    tpu.barrier barrier_id(%barrier3A)
    %scan3A = arith.constant 0 : i32
    %scan3A_5 = arith.constant 0 : i32
    %scan3A_6 = arith.constant 4 : i32
    %scan3A_7 = arith.addi %scan3A_5, %scan3A_6 : i32
    %scan3A_8 = arith.constant 1 : i32
    scf.for %scan3A_10 = %scan3A_5 to %scan3A_7 step %scan3A_8  : i32 {
      %mul3A_11 = arith.constant 32768 : i32
      %mul3A_12 = arith.muli %scan3A_10, %mul3A_11 : i32
      %add3A_13 = arith.addi %mul3A_2, %mul3A_12 : i32
      "tpu.region"() ({
        %run_scoped3A = tpu.sem_alloc : memref<!tpu.dma_semaphore, #tpu.memory_space<semaphore_mem>>
        %dma_start3A_16 = tpu.memref_slice %arg3[%add3A_13] : memref<4194304xi32, #tpu.memory_space<hbm>> -> memref<32768xi32, #tpu.memory_space<hbm>>
        %dma_start3A_17 = tpu.memref_slice %arg3[%add3A_13] : memref<4194304xi32, #tpu.memory_space<hbm>> -> memref<32768xi32, #tpu.memory_space<hbm>>
        tpu.enqueue_dma source(%dma_start3A_17 : memref<32768xi32, #tpu.memory_space<hbm>>) target(%arg5 : memref<32768xi32, #tpu.memory_space<vmem>>) target_semaphore(%run_scoped3A : memref<!tpu.dma_semaphore, #tpu.memory_space<semaphore_mem>>)
        %dma_wait3A_18 = tpu.memref_slice %arg3[%add3A_13] : memref<4194304xi32, #tpu.memory_space<hbm>> -> memref<32768xi32, #tpu.memory_space<hbm>>
        %dma_wait3A_19 = tpu.memref_slice %arg3[%add3A_13] : memref<4194304xi32, #tpu.memory_space<hbm>> -> memref<32768xi32, #tpu.memory_space<hbm>>
        tpu.wait_dma2 semaphore(%run_scoped3A : memref<!tpu.dma_semaphore, #tpu.memory_space<semaphore_mem>>) src(%dma_wait3A_19 : memref<32768xi32, #tpu.memory_space<hbm>>) dst(%arg5 : memref<32768xi32, #tpu.memory_space<vmem>>)
        tpu.yield
      }) : () -> ()
      %dma_start3A = arith.constant 0 : i32
      %dma_start3A_14 = tpu.memref_slice %arg7[%dma_start3A] : memref<262144xf32, #tpu.memory_space<vmem_shared>> -> memref<262144xf32, #tpu.memory_space<vmem_shared>>
      tpu.enqueue_indirect_dma source(%dma_start3A_14 : memref<262144xf32, #tpu.memory_space<vmem_shared>>) target(%arg6 : memref<32768xf32, #tpu.memory_space<vmem>>) offsets(%arg5 : memref<32768xi32, #tpu.memory_space<vmem>>) semaphore(%arg8 : memref<!tpu.dma_semaphore, #tpu.memory_space<semaphore_mem>>)
      %dma_wait3A = arith.constant 0 : i32
      %dma_wait3A_15 = tpu.memref_slice %arg7[%dma_wait3A] : memref<262144xf32, #tpu.memory_space<vmem_shared>> -> memref<262144xf32, #tpu.memory_space<vmem_shared>>
      tpu.wait_indirect_dma semaphore(%arg8 : memref<!tpu.dma_semaphore, #tpu.memory_space<semaphore_mem>>) src(%dma_wait3A_15 : memref<262144xf32, #tpu.memory_space<vmem_shared>>) dst(%arg6 : memref<32768xf32, #tpu.memory_space<vmem>>)
      "tpu.region"() ({
        %run_scoped3A = tpu.sem_alloc : memref<!tpu.dma_semaphore, #tpu.memory_space<semaphore_mem>>
        %dma_start3A_16 = tpu.memref_slice %arg4[%add3A_13] : memref<4194304xf32, #tpu.memory_space<hbm>> -> memref<32768xf32, #tpu.memory_space<hbm>>
        %dma_start3A_17 = tpu.memref_slice %arg4[%add3A_13] : memref<4194304xf32, #tpu.memory_space<hbm>> -> memref<32768xf32, #tpu.memory_space<hbm>>
        tpu.enqueue_dma source(%arg6 : memref<32768xf32, #tpu.memory_space<vmem>>) target(%dma_start3A_17 : memref<32768xf32, #tpu.memory_space<hbm>>) target_semaphore(%run_scoped3A : memref<!tpu.dma_semaphore, #tpu.memory_space<semaphore_mem>>)
        %dma_wait3A_18 = tpu.memref_slice %arg4[%add3A_13] : memref<4194304xf32, #tpu.memory_space<hbm>> -> memref<32768xf32, #tpu.memory_space<hbm>>
        %dma_wait3A_19 = tpu.memref_slice %arg4[%add3A_13] : memref<4194304xf32, #tpu.memory_space<hbm>> -> memref<32768xf32, #tpu.memory_space<hbm>>
        tpu.wait_dma2 semaphore(%run_scoped3A : memref<!tpu.dma_semaphore, #tpu.memory_space<semaphore_mem>>) src(%arg6 : memref<32768xf32, #tpu.memory_space<vmem>>) dst(%dma_wait3A_19 : memref<32768xf32, #tpu.memory_space<hbm>>)
        tpu.yield
      }) : () -> ()
    }
    %scan3A_9 = arith.constant 4 : i32
    return
  }
}

module attributes {stable_mosaic.version = 14 : i64} {
  func.func @_table_body(%arg0: i32, %arg1: memref<32x2048xf32, #tpu.memory_space<vmem>>, %arg2: memref<1x2048xf32, #tpu.memory_space<vmem>>, %arg3: memref<1x2048xf32, #tpu.memory_space<vmem>>, %arg4: memref<4x2048xf32, #tpu.memory_space<vmem>>, %arg5: memref<1x1xf32, #tpu.memory_space<vmem>>) attributes {dimension_semantics = [#tpu.dimension_semantics<arbitrary>], iteration_bounds = array<i64: 32>, scalar_prefetch = 0 : i64, scratch_operands = 0 : i64, tpu.core_type = #tpu.core_type<tc>, window_params = [{transform_indices = @transform_0, window_bounds = array<i64: 32, 2048>}, {transform_indices = @transform_1, window_bounds = array<i64: 1, 2048>}, {transform_indices = @transform_2, window_bounds = array<i64: 1, 2048>}, {transform_indices = @transform_3, window_bounds = array<i64: 4, 2048>}, {pipeline_mode = #tpu.pipeline_mode<synchronous>, transform_indices = @transform_4, window_bounds = array<i64: 1, 1>}]} {
    %get3A = arith.constant 0 : index
    %get3A_0 = arith.constant 0 : index
    %get3A_1 = vector.load %arg1[%get3A, %get3A_0] : memref<32x2048xf32, #tpu.memory_space<vmem>>, vector<32x2048xf32>
    %get3A_2 = arith.constant 0 : index
    %get3A_3 = arith.constant 0 : index
    %get3A_4 = vector.load %arg2[%get3A_2, %get3A_3] : memref<1x2048xf32, #tpu.memory_space<vmem>>, vector<1x2048xf32>
    %get3A_5 = arith.constant 0 : index
    %get3A_6 = arith.constant 0 : index
    %get3A_7 = vector.load %arg3[%get3A_5, %get3A_6] : memref<1x2048xf32, #tpu.memory_space<vmem>>, vector<1x2048xf32>
    %max3A = arith.constant 0.000000e+00 : f32
    %max3A_8 = vector.broadcast %max3A : f32 to vector<1x2048xf32>
    %max3A_9 = arith.maximumf %get3A_7, %max3A_8 : vector<1x2048xf32>
    %abs3A = math.absf %get3A_7 : vector<1x2048xf32>
    %neg3A = arith.constant 0.000000e+00 : f32
    %neg3A_10 = vector.broadcast %neg3A : f32 to vector<1x2048xf32>
    %neg3A_11 = arith.subf %neg3A_10, %abs3A : vector<1x2048xf32>
    %exp3A = math.exp %neg3A_11 : vector<1x2048xf32>
    %log1p3A = math.log1p %exp3A : vector<1x2048xf32>
    %add3A = arith.addf %max3A_9, %log1p3A : vector<1x2048xf32>
    %reduce_sum3A = arith.constant dense<0.000000e+00> : vector<2048xf32>
    %reduce_sum3A_12 = vector.multi_reduction <add>, %get3A_1, %reduce_sum3A [0] : vector<32x2048xf32> to vector<2048xf32>
    %broadcast_in_dim3A = vector.shape_cast %reduce_sum3A_12 : vector<2048xf32> to vector<1x2048xf32>
    %mul3A = arith.mulf %get3A_1, %get3A_1 : vector<32x2048xf32>
    %reduce_sum3A_13 = arith.constant dense<0.000000e+00> : vector<2048xf32>
    %reduce_sum3A_14 = vector.multi_reduction <add>, %mul3A, %reduce_sum3A_13 [0] : vector<32x2048xf32> to vector<2048xf32>
    %broadcast_in_dim3A_15 = vector.shape_cast %reduce_sum3A_14 : vector<2048xf32> to vector<1x2048xf32>
    %mul3A_16 = arith.constant 3.200000e+01 : f32
    %mul3A_17 = vector.broadcast %mul3A_16 : f32 to vector<1x2048xf32>
    %mul3A_18 = arith.mulf %mul3A_17, %get3A_4 : vector<1x2048xf32>
    %mul3A_19 = arith.mulf %add3A, %broadcast_in_dim3A : vector<1x2048xf32>
    %add3A_20 = arith.addf %mul3A_18, %mul3A_19 : vector<1x2048xf32>
    %mul3A_21 = arith.constant 3.200000e+01 : f32
    %mul3A_22 = vector.broadcast %mul3A_21 : f32 to vector<1x2048xf32>
    %mul3A_23 = arith.mulf %mul3A_22, %get3A_4 : vector<1x2048xf32>
    %mul3A_24 = arith.mulf %mul3A_23, %get3A_4 : vector<1x2048xf32>
    %mul3A_25 = arith.constant 2.000000e+00 : f32
    %mul3A_26 = vector.broadcast %mul3A_25 : f32 to vector<1x2048xf32>
    %mul3A_27 = arith.mulf %mul3A_26, %get3A_4 : vector<1x2048xf32>
    %mul3A_28 = arith.mulf %mul3A_27, %add3A : vector<1x2048xf32>
    %mul3A_29 = arith.mulf %mul3A_28, %broadcast_in_dim3A : vector<1x2048xf32>
    %add3A_30 = arith.addf %mul3A_24, %mul3A_29 : vector<1x2048xf32>
    %mul3A_31 = arith.mulf %add3A, %add3A : vector<1x2048xf32>
    %mul3A_32 = arith.mulf %mul3A_31, %broadcast_in_dim3A_15 : vector<1x2048xf32>
    %add3A_33 = arith.addf %add3A_30, %mul3A_32 : vector<1x2048xf32>
    %concatenate3A = tpu.concatenate %get3A_4, %add3A, %add3A_20, %add3A_33 in 0 : vector<1x2048xf32>, vector<1x2048xf32>, vector<1x2048xf32>, vector<1x2048xf32> -> vector<4x2048xf32>
    %swap3A = arith.constant 0 : index
    %swap3A_34 = arith.constant 0 : index
    %swap3A_35 = vector.load %arg4[%swap3A, %swap3A_34] : memref<4x2048xf32, #tpu.memory_space<vmem>>, vector<4x2048xf32>
    tpu.vector_store %arg4[%swap3A, %swap3A_34], %concatenate3A {strides = array<i32>} : memref<4x2048xf32, #tpu.memory_space<vmem>>, vector<4x2048xf32>,
    %log3A = math.log %add3A : vector<1x2048xf32>
    %neg3A_36 = arith.constant 0.000000e+00 : f32
    %neg3A_37 = vector.broadcast %neg3A_36 : f32 to vector<1x2048xf32>
    %neg3A_38 = arith.subf %neg3A_37, %log3A : vector<1x2048xf32>
    %mul3A_39 = arith.mulf %add3A, %add3A : vector<1x2048xf32>
    %mul3A_40 = arith.mulf %get3A_4, %get3A_4 : vector<1x2048xf32>
    %add3A_41 = arith.addf %mul3A_39, %mul3A_40 : vector<1x2048xf32>
    %mul3A_42 = arith.constant 5.000000e-01 : f32
    %mul3A_43 = vector.broadcast %mul3A_42 : f32 to vector<1x2048xf32>
    %mul3A_44 = arith.mulf %mul3A_43, %add3A_41 : vector<1x2048xf32>
    %add3A_45 = arith.addf %neg3A_38, %mul3A_44 : vector<1x2048xf32>
    %sub3A = arith.constant 5.000000e-01 : f32
    %sub3A_46 = vector.broadcast %sub3A : f32 to vector<1x2048xf32>
    %sub3A_47 = arith.subf %add3A_45, %sub3A_46 : vector<1x2048xf32>
    %eq3A = arith.constant 0 : i32
    %eq3A_48 = arith.cmpi eq, %arg0, %eq3A : i32
    %convert_element_type3A = arith.extui %eq3A_48 : i1 to i32
    %cond3A = arith.constant 0 : i32
    %cond3A_49 = arith.cmpi ne, %convert_element_type3A, %cond3A : i32
    scf.if %cond3A_49 {
      %broadcast_in_dim3A_62 = arith.constant 0.000000e+00 : f32
      %broadcast_in_dim3A_63 = vector.broadcast %broadcast_in_dim3A_62 : f32 to vector<1x1xf32>
      %swap3A_64 = arith.constant 0 : index
      %swap3A_65 = arith.constant 0 : index
      %swap3A_66 = vector.load %arg5[%swap3A_64, %swap3A_65] : memref<1x1xf32, #tpu.memory_space<vmem>>, vector<1x1xf32>
      tpu.vector_store %arg5[%swap3A_64, %swap3A_65], %broadcast_in_dim3A_63 {strides = array<i32>} : memref<1x1xf32, #tpu.memory_space<vmem>>, vector<1x1xf32>,
    } else {
    }
    %get3A_50 = arith.constant 0 : index
    %get3A_51 = arith.constant 0 : index
    %get3A_52 = vector.load %arg5[%get3A_50, %get3A_51] : memref<1x1xf32, #tpu.memory_space<vmem>>, vector<1x1xf32>
    %reduce_sum3A_53 = vector.shape_cast %sub3A_47 : vector<1x2048xf32> to vector<1x1x2048xf32>
    %reduce_sum3A_54 = arith.constant dense<0.000000e+00> : vector<1xf32>
    %reduce_sum3A_55 = vector.multi_reduction <add>, %reduce_sum3A_53, %reduce_sum3A_54 [1, 2] : vector<1x1x2048xf32> to vector<1xf32>
    %reduce_sum3A_56 = vector.shape_cast %reduce_sum3A_55 : vector<1xf32> to vector<1x1x1xf32>
    %reduce_sum3A_57 = vector.extract %reduce_sum3A_56[0, 0, 0] : f32 from vector<1x1x1xf32>
    %reshape3A = vector.broadcast %reduce_sum3A_57 : f32 to vector<1x1xf32>
    %add3A_58 = arith.addf %get3A_52, %reshape3A : vector<1x1xf32>
    %swap3A_59 = arith.constant 0 : index
    %swap3A_60 = arith.constant 0 : index
    %swap3A_61 = vector.load %arg5[%swap3A_59, %swap3A_60] : memref<1x1xf32, #tpu.memory_space<vmem>>, vector<1x1xf32>
    tpu.vector_store %arg5[%swap3A_59, %swap3A_60], %add3A_58 {strides = array<i32>} : memref<1x1xf32, #tpu.memory_space<vmem>>, vector<1x1xf32>,
    return
  }
  func.func @transform_0(%arg0: i32) -> (i32, i32) {
    %c0_i32 = arith.constant 0 : i32
    %c0_i32_0 = arith.constant 0 : i32
    return %c0_i32, %arg0 : i32, i32
  }
  func.func @transform_1(%arg0: i32) -> (i32, i32) {
    %c0_i32 = arith.constant 0 : i32
    %c0_i32_0 = arith.constant 0 : i32
    return %c0_i32, %arg0 : i32, i32
  }
  func.func @transform_2(%arg0: i32) -> (i32, i32) {
    %c0_i32 = arith.constant 0 : i32
    %c0_i32_0 = arith.constant 0 : i32
    return %c0_i32, %arg0 : i32, i32
  }
  func.func @transform_3(%arg0: i32) -> (i32, i32) {
    %c0_i32 = arith.constant 0 : i32
    %c0_i32_0 = arith.constant 0 : i32
    return %c0_i32, %arg0 : i32, i32
  }
  func.func @transform_4(%arg0: i32) -> (i32, i32) {
    %c0_i32 = arith.constant 0 : i32
    %c0_i32_0 = arith.constant 0 : i32
    %c0_i32_1 = arith.constant 0 : i32
    return %c0_i32, %c0_i32_0 : i32, i32
  }
}

module attributes {stable_mosaic.version = 14 : i64} {
  func.func @_main_body(%arg0: i32, %arg1: memref<1x256x4xf32, #tpu.memory_space<vmem>>, %arg2: memref<1x256x4xf32, #tpu.memory_space<vmem>>, %arg3: memref<256x8xf32, #tpu.memory_space<vmem>>, %arg4: memref<1x1x256xi32, #tpu.memory_space<vmem>>, %arg5: memref<2048xi32, #tpu.memory_space<smem>>, %arg6: memref<4352x8xf32, #tpu.memory_space<vmem>>, %arg7: memref<18x32xf32, #tpu.memory_space<vmem>>, %arg8: memref<1x32xf32, #tpu.memory_space<vmem>>, %arg9: memref<32x1xf32, #tpu.memory_space<vmem>>, %arg10: memref<1x1xf32, #tpu.memory_space<vmem>>, %arg11: memref<4352x16xf32, #tpu.memory_space<vmem>>) attributes {dimension_semantics = [#tpu.dimension_semantics<arbitrary>], iteration_bounds = array<i64: 2048>, scalar_prefetch = 0 : i64, scratch_operands = 0 : i64, tpu.core_type = #tpu.core_type<tc>, window_params = [{transform_indices = @transform_0, window_bounds = array<i64: 1, 256, 4>}, {transform_indices = @transform_1, window_bounds = array<i64: 1, 256, 4>}, {transform_indices = @transform_2, window_bounds = array<i64: 256, 8>}, {transform_indices = @transform_3, window_bounds = array<i64: 1, 1, 256>}, {transform_indices = @transform_4, window_bounds = array<i64: 2048>}, {pipeline_mode = #tpu.pipeline_mode<synchronous>, transform_indices = @transform_5, window_bounds = array<i64: 4352, 8>}, {pipeline_mode = #tpu.pipeline_mode<synchronous>, transform_indices = @transform_6, window_bounds = array<i64: 18, 32>}, {pipeline_mode = #tpu.pipeline_mode<synchronous>, transform_indices = @transform_7, window_bounds = array<i64: 1, 32>}, {pipeline_mode = #tpu.pipeline_mode<synchronous>, transform_indices = @transform_8, window_bounds = array<i64: 32, 1>}, {pipeline_mode = #tpu.pipeline_mode<synchronous>, transform_indices = @transform_9, window_bounds = array<i64: 1, 1>}, {pipeline_mode = #tpu.pipeline_mode<synchronous>, transform_indices = @transform_10, window_bounds = array<i64: 4352, 16>}]} {
    %get3A = arith.index_cast %arg0 : i32 to index
    %get3A_0 = memref.load %arg5[%get3A] : memref<2048xi32, #tpu.memory_space<smem>>
    %get3A_1 = arith.constant 0 : index
    %get3A_2 = arith.constant 0 : index
    %get3A_3 = arith.constant 0 : index
    %get3A_4 = vector.load %arg4[%get3A_1, %get3A_2, %get3A_3] : memref<1x1x256xi32, #tpu.memory_space<vmem>>, vector<1x1x256xi32>
    %get3A_5 = vector.shape_cast %get3A_4 : vector<1x1x256xi32> to vector<1x256xi32>
    %sub3A = vector.broadcast %get3A_0 : i32 to vector<1x256xi32>
    %sub3A_6 = arith.subi %get3A_5, %sub3A : vector<1x256xi32>
    %iota3A = tpu.iota {dimensions = array<i32: 0>} : vector<256x256xi32>
    %eq3A = vector.broadcast %sub3A_6 : vector<1x256xi32> to vector<256x256xi32>
    %eq3A_7 = arith.cmpi eq, %eq3A, %iota3A : vector<256x256xi32>
    %convert_element_type3A = arith.extui %eq3A_7 : vector<256x256xi1> to vector<256x256xi32>
    %convert_element_type3A_8 = arith.sitofp %convert_element_type3A : vector<256x256xi32> to vector<256x256xf32>
    %get3A_9 = arith.index_cast %get3A_0 : i32 to index
    %get3A_10 = arith.constant 0 : index
    %get3A_11 = vector.load %arg6[%get3A_9, %get3A_10] : memref<4352x8xf32, #tpu.memory_space<vmem>>, vector<256x8xf32>
    %dot_general3A = arith.constant dense<0.000000e+00> : vector<256x8xf32>
    %dot_general3A_12 = tpu.matmul %convert_element_type3A_8, %get3A_11, %dot_general3A {dimension_numbers = #tpu.dot_dimension_numbers<[0], [0], [1], [1], [0, 1, 1, 1], [], []>, transpose_lhs_hint = false} : vector<256x256xf32>, vector<256x8xf32>, vector<256x8xf32> -> vector<256x8xf32>
    %get3A_13 = arith.constant 0 : index
    %get3A_14 = arith.constant 0 : index
    %get3A_15 = vector.load %arg3[%get3A_13, %get3A_14] : memref<256x8xf32, #tpu.memory_space<vmem>>, vector<256x8xf32>
    %slice3A = vector.extract_strided_slice %get3A_15 {offsets = [0, 0], sizes = [256, 1], strides = [1, 1]} : vector<256x8xf32> to vector<256x1xf32>
    %slice3A_16 = vector.extract_strided_slice %get3A_15 {offsets = [0, 1], sizes = [256, 1], strides = [1, 1]} : vector<256x8xf32> to vector<256x1xf32>
    %get3A_17 = arith.constant 0 : index
    %get3A_18 = arith.constant 0 : index
    %get3A_19 = arith.constant 0 : index
    %get3A_20 = vector.load %arg1[%get3A_17, %get3A_18, %get3A_19] : memref<1x256x4xf32, #tpu.memory_space<vmem>>, vector<1x256x4xf32>
    %get3A_21 = vector.shape_cast %get3A_20 : vector<1x256x4xf32> to vector<256x4xf32>
    %get3A_22 = arith.constant 0 : index
    %get3A_23 = arith.constant 0 : index
    %get3A_24 = arith.constant 0 : index
    %get3A_25 = vector.load %arg2[%get3A_22, %get3A_23, %get3A_24] : memref<1x256x4xf32, #tpu.memory_space<vmem>>, vector<1x256x4xf32>
    %get3A_26 = vector.shape_cast %get3A_25 : vector<1x256x4xf32> to vector<256x4xf32>
    %get3A_27 = arith.constant 0 : index
    %get3A_28 = arith.constant 0 : index
    %get3A_29 = vector.load %arg7[%get3A_27, %get3A_28] : memref<18x32xf32, #tpu.memory_space<vmem>>, vector<18x32xf32>
    %get3A_30 = arith.constant 0 : index
    %get3A_31 = arith.constant 0 : index
    %get3A_32 = vector.load %arg8[%get3A_30, %get3A_31] : memref<1x32xf32, #tpu.memory_space<vmem>>, vector<1x32xf32>
    %get3A_33 = arith.constant 0 : index
    %get3A_34 = arith.constant 0 : index
    %get3A_35 = vector.load %arg9[%get3A_33, %get3A_34] : memref<32x1xf32, #tpu.memory_space<vmem>>, vector<32x1xf32>
    %get3A_36 = arith.constant 0 : index
    %get3A_37 = arith.constant 0 : index
    %get3A_38 = vector.load %arg10[%get3A_36, %get3A_37] : memref<1x1xf32, #tpu.memory_space<vmem>>, vector<1x1xf32>
    %slice3A_39 = vector.extract_strided_slice %get3A_21 {offsets = [0, 0], sizes = [256, 2], strides = [1, 1]} : vector<256x4xf32> to vector<256x2xf32>
    %concatenate3A = tpu.concatenate %slice3A_39, %get3A_15, %dot_general3A_12 in 1 : vector<256x2xf32>, vector<256x8xf32>, vector<256x8xf32> -> vector<256x18xf32>
    %dot_general3A_40 = arith.constant dense<0.000000e+00> : vector<256x32xf32>
    %dot_general3A_41 = tpu.matmul %concatenate3A, %get3A_29, %dot_general3A_40 {dimension_numbers = #tpu.dot_dimension_numbers<[1], [0], [0], [1], [0, 0, 1, 1], [], []>, transpose_lhs_hint = false} : vector<256x18xf32>, vector<18x32xf32>, vector<256x32xf32> -> vector<256x32xf32>
    %add3A = vector.broadcast %get3A_32 : vector<1x32xf32> to vector<256x32xf32>
    %add3A_42 = arith.addf %dot_general3A_41, %add3A : vector<256x32xf32>
    %tanh3A = math.tanh %add3A_42 : vector<256x32xf32>
    %dot_general3A_43 = arith.constant dense<0.000000e+00> : vector<256x1xf32>
    %dot_general3A_44 = tpu.matmul %tanh3A, %get3A_35, %dot_general3A_43 {dimension_numbers = #tpu.dot_dimension_numbers<[1], [0], [0], [1], [0, 0, 1, 1], [], []>, transpose_lhs_hint = false} : vector<256x32xf32>, vector<32x1xf32>, vector<256x1xf32> -> vector<256x1xf32>
    %add3A_45 = vector.broadcast %get3A_38 : vector<1x1xf32> to vector<256x1xf32>
    %add3A_46 = arith.addf %dot_general3A_44, %add3A_45 : vector<256x1xf32>
    %max3A = arith.constant 0.000000e+00 : f32
    %max3A_47 = vector.broadcast %max3A : f32 to vector<256x1xf32>
    %max3A_48 = arith.maximumf %add3A_46, %max3A_47 : vector<256x1xf32>
    %abs3A = math.absf %add3A_46 : vector<256x1xf32>
    %neg3A = arith.constant 0.000000e+00 : f32
    %neg3A_49 = vector.broadcast %neg3A : f32 to vector<256x1xf32>
    %neg3A_50 = arith.subf %neg3A_49, %abs3A : vector<256x1xf32>
    %exp3A = math.exp %neg3A_50 : vector<256x1xf32>
    %log1p3A = math.log1p %exp3A : vector<256x1xf32>
    %add3A_51 = arith.addf %max3A_48, %log1p3A : vector<256x1xf32>
    %slice3A_52 = vector.extract_strided_slice %get3A_26 {offsets = [0, 0], sizes = [256, 2], strides = [1, 1]} : vector<256x4xf32> to vector<256x2xf32>
    %concatenate3A_53 = tpu.concatenate %slice3A_52, %get3A_15, %dot_general3A_12 in 1 : vector<256x2xf32>, vector<256x8xf32>, vector<256x8xf32> -> vector<256x18xf32>
    %dot_general3A_54 = arith.constant dense<0.000000e+00> : vector<256x32xf32>
    %dot_general3A_55 = tpu.matmul %concatenate3A_53, %get3A_29, %dot_general3A_54 {dimension_numbers = #tpu.dot_dimension_numbers<[1], [0], [0], [1], [0, 0, 1, 1], [], []>, transpose_lhs_hint = false} : vector<256x18xf32>, vector<18x32xf32>, vector<256x32xf32> -> vector<256x32xf32>
    %add3A_56 = vector.broadcast %get3A_32 : vector<1x32xf32> to vector<256x32xf32>
    %add3A_57 = arith.addf %dot_general3A_55, %add3A_56 : vector<256x32xf32>
    %tanh3A_58 = math.tanh %add3A_57 : vector<256x32xf32>
    %dot_general3A_59 = arith.constant dense<0.000000e+00> : vector<256x1xf32>
    %dot_general3A_60 = tpu.matmul %tanh3A_58, %get3A_35, %dot_general3A_59 {dimension_numbers = #tpu.dot_dimension_numbers<[1], [0], [0], [1], [0, 0, 1, 1], [], []>, transpose_lhs_hint = false} : vector<256x32xf32>, vector<32x1xf32>, vector<256x1xf32> -> vector<256x1xf32>
    %add3A_61 = vector.broadcast %get3A_38 : vector<1x1xf32> to vector<256x1xf32>
    %add3A_62 = arith.addf %dot_general3A_60, %add3A_61 : vector<256x1xf32>
    %max3A_63 = arith.constant 0.000000e+00 : f32
    %max3A_64 = vector.broadcast %max3A_63 : f32 to vector<256x1xf32>
    %max3A_65 = arith.maximumf %add3A_62, %max3A_64 : vector<256x1xf32>
    %abs3A_66 = math.absf %add3A_62 : vector<256x1xf32>
    %neg3A_67 = arith.constant 0.000000e+00 : f32
    %neg3A_68 = vector.broadcast %neg3A_67 : f32 to vector<256x1xf32>
    %neg3A_69 = arith.subf %neg3A_68, %abs3A_66 : vector<256x1xf32>
    %exp3A_70 = math.exp %neg3A_69 : vector<256x1xf32>
    %log1p3A_71 = math.log1p %exp3A_70 : vector<256x1xf32>
    %add3A_72 = arith.addf %max3A_65, %log1p3A_71 : vector<256x1xf32>
    %mul3A = arith.mulf %slice3A_16, %slice3A_16 : vector<256x1xf32>
    %div3A = arith.constant 1.000000e+00 : f32
    %div3A_73 = vector.broadcast %div3A : f32 to vector<256x1xf32>
    %div3A_74 = arith.divf %div3A_73, %mul3A : vector<256x1xf32>
    %log3A = math.log %slice3A_16 : vector<256x1xf32>
    %slice3A_75 = vector.extract_strided_slice %get3A_21 {offsets = [0, 2], sizes = [256, 1], strides = [1, 1]} : vector<256x4xf32> to vector<256x1xf32>
    %slice3A_76 = vector.extract_strided_slice %get3A_21 {offsets = [0, 3], sizes = [256, 1], strides = [1, 1]} : vector<256x4xf32> to vector<256x1xf32>
    %mul3A_77 = arith.mulf %add3A_51, %add3A_51 : vector<256x1xf32>
    %mul3A_78 = arith.mulf %mul3A_77, %slice3A_76 : vector<256x1xf32>
    %mul3A_79 = arith.constant 2.000000e+00 : f32
    %mul3A_80 = vector.broadcast %mul3A_79 : f32 to vector<256x1xf32>
    %mul3A_81 = arith.mulf %mul3A_80, %slice3A : vector<256x1xf32>
    %mul3A_82 = arith.mulf %mul3A_81, %add3A_51 : vector<256x1xf32>
    %mul3A_83 = arith.mulf %mul3A_82, %slice3A_75 : vector<256x1xf32>
    %sub3A_84 = arith.subf %mul3A_78, %mul3A_83 : vector<256x1xf32>
    %mul3A_85 = arith.constant 3.200000e+01 : f32
    %mul3A_86 = vector.broadcast %mul3A_85 : f32 to vector<256x1xf32>
    %mul3A_87 = arith.mulf %mul3A_86, %slice3A : vector<256x1xf32>
    %mul3A_88 = arith.mulf %mul3A_87, %slice3A : vector<256x1xf32>
    %add3A_89 = arith.addf %sub3A_84, %mul3A_88 : vector<256x1xf32>
    %mul3A_90 = arith.constant -5.000000e-01 : f32
    %mul3A_91 = vector.broadcast %mul3A_90 : f32 to vector<256x1xf32>
    %mul3A_92 = arith.mulf %mul3A_91, %div3A_74 : vector<256x1xf32>
    %mul3A_93 = arith.mulf %mul3A_92, %add3A_89 : vector<256x1xf32>
    %mul3A_94 = arith.constant 3.200000e+01 : f32
    %mul3A_95 = vector.broadcast %mul3A_94 : f32 to vector<256x1xf32>
    %mul3A_96 = arith.mulf %mul3A_95, %log3A : vector<256x1xf32>
    %sub3A_97 = arith.subf %mul3A_93, %mul3A_96 : vector<256x1xf32>
    %sub3A_98 = arith.constant 29.4060326 : f32
    %sub3A_99 = vector.broadcast %sub3A_98 : f32 to vector<256x1xf32>
    %sub3A_100 = arith.subf %sub3A_97, %sub3A_99 : vector<256x1xf32>
    %slice3A_101 = vector.extract_strided_slice %get3A_26 {offsets = [0, 2], sizes = [256, 1], strides = [1, 1]} : vector<256x4xf32> to vector<256x1xf32>
    %slice3A_102 = vector.extract_strided_slice %get3A_26 {offsets = [0, 3], sizes = [256, 1], strides = [1, 1]} : vector<256x4xf32> to vector<256x1xf32>
    %mul3A_103 = arith.mulf %add3A_72, %add3A_72 : vector<256x1xf32>
    %mul3A_104 = arith.mulf %mul3A_103, %slice3A_102 : vector<256x1xf32>
    %mul3A_105 = arith.constant 2.000000e+00 : f32
    %mul3A_106 = vector.broadcast %mul3A_105 : f32 to vector<256x1xf32>
    %mul3A_107 = arith.mulf %mul3A_106, %slice3A : vector<256x1xf32>
    %mul3A_108 = arith.mulf %mul3A_107, %add3A_72 : vector<256x1xf32>
    %mul3A_109 = arith.mulf %mul3A_108, %slice3A_101 : vector<256x1xf32>
    %sub3A_110 = arith.subf %mul3A_104, %mul3A_109 : vector<256x1xf32>
    %mul3A_111 = arith.constant 3.200000e+01 : f32
    %mul3A_112 = vector.broadcast %mul3A_111 : f32 to vector<256x1xf32>
    %mul3A_113 = arith.mulf %mul3A_112, %slice3A : vector<256x1xf32>
    %mul3A_114 = arith.mulf %mul3A_113, %slice3A : vector<256x1xf32>
    %add3A_115 = arith.addf %sub3A_110, %mul3A_114 : vector<256x1xf32>
    %mul3A_116 = arith.constant -5.000000e-01 : f32
    %mul3A_117 = vector.broadcast %mul3A_116 : f32 to vector<256x1xf32>
    %mul3A_118 = arith.mulf %mul3A_117, %div3A_74 : vector<256x1xf32>
    %mul3A_119 = arith.mulf %mul3A_118, %add3A_115 : vector<256x1xf32>
    %mul3A_120 = arith.constant 3.200000e+01 : f32
    %mul3A_121 = vector.broadcast %mul3A_120 : f32 to vector<256x1xf32>
    %mul3A_122 = arith.mulf %mul3A_121, %log3A : vector<256x1xf32>
    %sub3A_123 = arith.subf %mul3A_119, %mul3A_122 : vector<256x1xf32>
    %sub3A_124 = arith.constant 29.4060326 : f32
    %sub3A_125 = vector.broadcast %sub3A_124 : f32 to vector<256x1xf32>
    %sub3A_126 = arith.subf %sub3A_123, %sub3A_125 : vector<256x1xf32>
    %slice3A_127 = vector.extract_strided_slice %get3A_21 {offsets = [0, 2], sizes = [256, 1], strides = [1, 1]} : vector<256x4xf32> to vector<256x1xf32>
    %mul3A_128 = arith.mulf %add3A_51, %slice3A_127 : vector<256x1xf32>
    %mul3A_129 = arith.constant 3.125000e-02 : f32
    %mul3A_130 = vector.broadcast %mul3A_129 : f32 to vector<256x1xf32>
    %mul3A_131 = arith.mulf %mul3A_128, %mul3A_130 : vector<256x1xf32>
    %slice3A_132 = vector.extract_strided_slice %get3A_26 {offsets = [0, 2], sizes = [256, 1], strides = [1, 1]} : vector<256x4xf32> to vector<256x1xf32>
    %mul3A_133 = arith.mulf %add3A_72, %slice3A_132 : vector<256x1xf32>
    %mul3A_134 = arith.constant 3.125000e-02 : f32
    %mul3A_135 = vector.broadcast %mul3A_134 : f32 to vector<256x1xf32>
    %mul3A_136 = arith.mulf %mul3A_133, %mul3A_135 : vector<256x1xf32>
    %broadcast_in_dim3A = arith.constant 0.000000e+00 : f32
    %broadcast_in_dim3A_137 = vector.broadcast %broadcast_in_dim3A : f32 to vector<256x5xf32>
    %mul3A_138 = arith.mulf %div3A_74, %mul3A_131 : vector<256x1xf32>
    %mul3A_139 = arith.mulf %div3A_74, %mul3A_136 : vector<256x1xf32>
    %mul3A_140 = arith.mulf %div3A_74, %mul3A_131 : vector<256x1xf32>
    %mul3A_141 = arith.mulf %mul3A_140, %mul3A_131 : vector<256x1xf32>
    %mul3A_142 = arith.mulf %div3A_74, %mul3A_136 : vector<256x1xf32>
    %mul3A_143 = arith.mulf %mul3A_142, %mul3A_136 : vector<256x1xf32>
    %mul3A_144 = arith.mulf %div3A_74, %slice3A : vector<256x1xf32>
    %mul3A_145 = arith.mulf %mul3A_144, %mul3A_131 : vector<256x1xf32>
    %mul3A_146 = arith.mulf %div3A_74, %slice3A : vector<256x1xf32>
    %mul3A_147 = arith.mulf %mul3A_146, %mul3A_136 : vector<256x1xf32>
    %mul3A_148 = arith.mulf %div3A_74, %slice3A : vector<256x1xf32>
    %mul3A_149 = arith.mulf %div3A_74, %slice3A : vector<256x1xf32>
    %mul3A_150 = arith.mulf %mul3A_149, %slice3A : vector<256x1xf32>
    %concatenate3A_151 = tpu.concatenate %sub3A_100, %sub3A_126, %mul3A_138, %mul3A_139, %mul3A_141, %mul3A_143, %mul3A_145, %mul3A_147, %div3A_74, %mul3A_148, %mul3A_150, %broadcast_in_dim3A_137 in 1 : vector<256x1xf32>, vector<256x1xf32>, vector<256x1xf32>, vector<256x1xf32>, vector<256x1xf32>, vector<256x1xf32>, vector<256x1xf32>, vector<256x1xf32>, vector<256x1xf32>, vector<256x1xf32>, vector<256x1xf32>, vector<256x5xf32> -> vector<256x16xf32>
    %convert_element_type3A_152 = arith.truncf %concatenate3A_151 : vector<256x16xf32> to vector<256x16xbf16>
    %convert_element_type3A_153 = arith.extf %convert_element_type3A_152 : vector<256x16xbf16> to vector<256x16xf32>
    %sub3A_154 = arith.subf %concatenate3A_151, %convert_element_type3A_153 : vector<256x16xf32>
    %dot_general3A_155 = arith.constant dense<0.000000e+00> : vector<256x16xf32>
    %dot_general3A_156 = tpu.matmul %convert_element_type3A_8, %convert_element_type3A_153, %dot_general3A_155 {dimension_numbers = #tpu.dot_dimension_numbers<[1], [0], [0], [1], [0, 0, 1, 1], [], []>, transpose_lhs_hint = false} : vector<256x256xf32>, vector<256x16xf32>, vector<256x16xf32> -> vector<256x16xf32>
    %dot_general3A_157 = arith.constant dense<0.000000e+00> : vector<256x16xf32>
    %dot_general3A_158 = tpu.matmul %convert_element_type3A_8, %sub3A_154, %dot_general3A_157 {dimension_numbers = #tpu.dot_dimension_numbers<[1], [0], [0], [1], [0, 0, 1, 1], [], []>, transpose_lhs_hint = false} : vector<256x256xf32>, vector<256x16xf32>, vector<256x16xf32> -> vector<256x16xf32>
    %add3A_159 = arith.addf %dot_general3A_156, %dot_general3A_158 : vector<256x16xf32>
    %eq3A_160 = arith.constant 0 : i32
    %eq3A_161 = arith.cmpi eq, %arg0, %eq3A_160 : i32
    %convert_element_type3A_162 = arith.extui %eq3A_161 : i1 to i32
    %cond3A = arith.constant 0 : i32
    %cond3A_163 = arith.cmpi ne, %convert_element_type3A_162, %cond3A : i32
    scf.if %cond3A_163 {
      %broadcast_in_dim3A_170 = arith.constant 0.000000e+00 : f32
      %broadcast_in_dim3A_171 = vector.broadcast %broadcast_in_dim3A_170 : f32 to vector<4352x16xf32>
      %swap3A_172 = arith.constant 0 : index
      %swap3A_173 = arith.constant 0 : index
      %swap3A_174 = vector.load %arg11[%swap3A_172, %swap3A_173] : memref<4352x16xf32, #tpu.memory_space<vmem>>, vector<4352x16xf32>
      tpu.vector_store %arg11[%swap3A_172, %swap3A_173], %broadcast_in_dim3A_171 {strides = array<i32>} : memref<4352x16xf32, #tpu.memory_space<vmem>>, vector<4352x16xf32>,
    } else {
    }
    %get3A_164 = arith.index_cast %get3A_0 : i32 to index
    %get3A_165 = arith.constant 0 : index
    %get3A_166 = vector.load %arg11[%get3A_164, %get3A_165] : memref<4352x16xf32, #tpu.memory_space<vmem>>, vector<256x16xf32>
    %add3A_167 = arith.addf %get3A_166, %add3A_159 : vector<256x16xf32>
    %swap3A = arith.index_cast %get3A_0 : i32 to index
    %swap3A_168 = arith.constant 0 : index
    %swap3A_169 = vector.load %arg11[%swap3A, %swap3A_168] : memref<4352x16xf32, #tpu.memory_space<vmem>>, vector<256x16xf32>
    tpu.vector_store %arg11[%swap3A, %swap3A_168], %add3A_167 {strides = array<i32>} : memref<4352x16xf32, #tpu.memory_space<vmem>>, vector<256x16xf32>,
    return
  }
  func.func @transform_0(%arg0: i32) -> (i32, i32, i32) {
    %c0_i32 = arith.constant 0 : i32
    %c0_i32_0 = arith.constant 0 : i32
    %c0_i32_1 = arith.constant 0 : i32
    return %c0_i32, %arg0, %c0_i32_0 : i32, i32, i32
  }
  func.func @transform_1(%arg0: i32) -> (i32, i32, i32) {
    %c1_i32 = arith.constant 1 : i32
    %c0_i32 = arith.constant 0 : i32
    %c0_i32_0 = arith.constant 0 : i32
    return %c1_i32, %arg0, %c0_i32 : i32, i32, i32
  }
  func.func @transform_2(%arg0: i32) -> (i32, i32) {
    %c0_i32 = arith.constant 0 : i32
    %c0_i32_0 = arith.constant 0 : i32
    return %arg0, %c0_i32 : i32, i32
  }
  func.func @transform_3(%arg0: i32) -> (i32, i32, i32) {
    %c0_i32 = arith.constant 0 : i32
    %c0_i32_0 = arith.constant 0 : i32
    %c0_i32_1 = arith.constant 0 : i32
    return %arg0, %c0_i32, %c0_i32_0 : i32, i32, i32
  }
  func.func @transform_4(%arg0: i32) -> i32 {
    %c0_i32 = arith.constant 0 : i32
    %c0_i32_0 = arith.constant 0 : i32
    return %c0_i32 : i32
  }
  func.func @transform_5(%arg0: i32) -> (i32, i32) {
    %c0_i32 = arith.constant 0 : i32
    %c0_i32_0 = arith.constant 0 : i32
    %c0_i32_1 = arith.constant 0 : i32
    return %c0_i32, %c0_i32_0 : i32, i32
  }
  func.func @transform_6(%arg0: i32) -> (i32, i32) {
    %c0_i32 = arith.constant 0 : i32
    %c0_i32_0 = arith.constant 0 : i32
    %c0_i32_1 = arith.constant 0 : i32
    return %c0_i32, %c0_i32_0 : i32, i32
  }
  func.func @transform_7(%arg0: i32) -> (i32, i32) {
    %c0_i32 = arith.constant 0 : i32
    %c0_i32_0 = arith.constant 0 : i32
    %c0_i32_1 = arith.constant 0 : i32
    return %c0_i32, %c0_i32_0 : i32, i32
  }
  func.func @transform_8(%arg0: i32) -> (i32, i32) {
    %c0_i32 = arith.constant 0 : i32
    %c0_i32_0 = arith.constant 0 : i32
    %c0_i32_1 = arith.constant 0 : i32
    return %c0_i32, %c0_i32_0 : i32, i32
  }
  func.func @transform_9(%arg0: i32) -> (i32, i32) {
    %c0_i32 = arith.constant 0 : i32
    %c0_i32_0 = arith.constant 0 : i32
    %c0_i32_1 = arith.constant 0 : i32
    return %c0_i32, %c0_i32_0 : i32, i32
  }
  func.func @transform_10(%arg0: i32) -> (i32, i32) {
    %c0_i32 = arith.constant 0 : i32
    %c0_i32_0 = arith.constant 0 : i32
    %c0_i32_1 = arith.constant 0 : i32
    return %c0_i32, %c0_i32_0 : i32, i32
  }
}

</mosaic_0001>

<sc_bundles>
// kernel: kernel.5.cloned.1.call-start
scs
__scs_entry_jumppad:
0x0: {  	(pc) =	sbr.rel $0x88, $3  }
0x1: {  	(tag) =	ssettag $0x0;
	lr =	simm.s32 $0x1  }
0x2: {  	[smem:$0x3F93] =	sst lr;
	_ =	strace $0xD0000000  }
0x3: {  	_ = 	snop  }
0x4: {  	_ = 	snop  }
0x5: {  	_ = 	snop  }
0x6: {  	_ = 	snop  }
0x7: {  	_ = 	snop  }
__scs_overlays_trampoline_lowered:
0x8: {  	[smem:$0x3FA2] =	sst s0  }
0x9: {  	[smem:$0x3FA3] =	sst s1  }
0xa: {  	[smem:$0x3FA4] =	sst s2  }
0xb: {  	[smem:$0x3FA5] =	sst s3  }
0xc: {  	[smem:$0x3FA6] =	sst s4  }
0xd: {  	[smem:$0x3FA7] =	sst s5  }
0xe: {  	[smem:$0x3FA8] =	sst s6  }
0xf: {  	[smem:$0x3FA9] =	sst s7  }
0x10: {  	[smem:$0x3FAA] =	sst s8  }
0x11: {  	[smem:$0x3FAB] =	sst s9;
	s0 =	simm.s32 @!p0 $0x0  }
0x12: {  	s1 =	sld [smem:$0x3F91];
	s0 =	simm.s32 @p0 $0x1  }
0x13: {  	[smem:$0x3FAC] =	sst s0;
	s0 =	simm.s32 @!p1 $0x0  }
0x14: {  	s2 =	sld [smem:$0x3F90];
	s0 =	simm.s32 @p1 $0x1  }
0x15: {  	[smem:$0x3FAD] =	sst s0;
	s0 =	simm.s32 @!p2 $0x0  }
0x16: {  	s3 =	sld [smem:$0x3FDB];
	s0 =	simm.s32 @p2 $0x1  }
0x17: {  	s4 =	simm.s32 $0x1BF5;
	[smem:$0x3FAF] =	sst s0  }
0x18: {  	s0 =	sld [smem:$0x3F92];
	_ =	swait.ge [sflag:s4], $0x0  }
0x19: {  	s7 =	sld [smem:$0x3F93]  }
0x1a: {  	s8 =	sadd.s32 $0xFFFFE003, lr  }
0x1b: {  	s9 =	sadd.s32 $0xFFFFFEF7, lr;
	s5 =	simm.s32 $0xFFFFFFFF;
	p2 =	slt.u32 s8, $0xFFFFF086  }
0x1c: {  	p1 =	slt.u32 s9, $0xF7A;
	s5 =	simm.s32 @!p2 $0x0  }
0x1d: {  	s5 =	simm.s32 @p1 $0x1;
	p0 =	seq.s32 s7, s2  }
0x1e: {  	s7 =	smul.u32 @!p0 $0xF7A, s2;
	p2 =	seq.s32 @!p0 s5, $0x0  }
0x1f: {  	s9 =	smul.u32 $0xF7A, s1;
	s8 =	simm.s32 @!p0 $0x1BF5;
	p2 =	por !p2, p0  }
0x20: {  	[sflag:s8] =	ssyncset.s32 @!p0 $0xFFFFF086;
	s6 =	sadd.s32 @!p0 s3, s7;
	s7 =	simm.s32 @!p0 $0x108  }
0x21: {  	s3 =	sadd.s32 s3, s9;
	s6 =	sadd.s32 @!p0 $0x88, s6;
	s7 =	simm.s32 @p2 $0x1082  }
0x22: {  	[simem:s7], [sflag:s8] =	dma.local @!p0 [hbm:s6], $0xF7A  }
0x23: {  	s9 =	sor.u32 $0xD0000000, s2;
	s6 =	simm.s32 $0x108;
	_ =	swait.ge @!p0 [sflag:s8], $0x0  }
0x24: {  	s3 =	sadd.s32 $0x88, s3;
	s6 =	simm.s32 @!p1 $0x1082;
	[sflag:s4] =	ssyncset.s32 $0xFFFFF086  }
0x25: {  	[simem:s6], [sflag:s4] =	dma.local [hbm:s3], $0xF7A  }
0x26: {  	[smem:$0x3F93] =	sst s1;
	(tag) =	ssettag s2;
	_ =	strace s9  }
0x27: {  	s1 =	sld [smem:$0x3FA3]  }
0x28: {  	s2 =	sld [smem:$0x3FA4]  }
0x29: {  	s4 =	sld [smem:$0x3FA6]  }
0x2a: {  	p0 =	seq.s32 s5, $0x0;
	s5 =	sld [smem:$0x3FA7]  }
0x2b: {  	s6 =	sld [smem:$0x3FA8]  }
0x2c: {  	s7 =	sld [smem:$0x3FA9]  }
0x2d: {  	s3 =	simm.s32 $0x108;
	s8 =	sld [smem:$0x3FAA]  }
0x2e: {  	s3 =	simm.s32 @!p0 $0x1082;
	s9 =	sld [smem:$0x3FAB]  }
0x2f: {  	lr =	sadd.s32 s0, s3;
	s0 =	sld [smem:$0x3FA2]  }
0x30: {  	s3 =	sld [smem:$0x3FA5]  }
0x31: {  	[smem:$0x3FAE] =	sst s10  }
0x32: {  	s10 =	sld [smem:$0x3FAC];
	_ =	sdelay $0x3  }
0x33: {  	p0 =	seq.s32 s10, $0x1;
	s10 =	sld [smem:$0x3FAE];
	_ =	sdelay $0x3  }
0x34: {  	[smem:$0x3FAE] =	sst s10  }
0x35: {  	s10 =	sld [smem:$0x3FAD];
	_ =	sdelay $0x3  }
0x36: {  	p1 =	seq.s32 s10, $0x1;
	s10 =	sld [smem:$0x3FAE];
	_ =	sdelay $0x3  }
0x37: {  	[smem:$0x3FAE] =	sst s10  }
0x38: {  	s10 =	sld [smem:$0x3FAF]  }
0x39: {  	_ = 	snop;
	(pc) =	sbr.ind lr, $3  }
0x3a: {  	_ = 	snop  }
0x3b: {  	_ = 	snop  }
0x3c: {  	p2 =	seq.s32 s10, $0x1;
	s10 =	sld [smem:$0x3FAE]  }
0x3d: {  	_ =	shalt  }
0x3e: {  	_ =	shalt  }
0x3f: {  	_ =	shalt  }
0x40: {  	_ =	shalt  }
0x41: {  	_ =	shalt  }
0x42: {  	_ =	shalt  }
0x43: {  	_ =	shalt  }
0x44: {  	_ =	shalt  }
0x45: {  	_ =	shalt  }
0x46: {  	_ =	shalt  }
0x47: {  	_ =	shalt  }
0x48: {  	_ =	shalt  }
0x49: {  	_ =	shalt  }
0x4a: {  	_ =	shalt  }
0x4b: {  	_ =	shalt  }
0x4c: {  	_ =	shalt  }
0x4d: {  	_ =	shalt  }
0x4e: {  	_ =	shalt  }
0x4f: {  	_ =	shalt  }
0x50: {  	_ =	shalt  }
0x51: {  	_ =	shalt  }
0x52: {  	_ =	shalt  }
0x53: {  	_ =	shalt  }
0x54: {  	_ =	shalt  }
0x55: {  	_ =	shalt  }
0x56: {  	_ =	shalt  }
0x57: {  	_ =	shalt  }
0x58: {  	_ =	shalt  }
0x59: {  	_ =	shalt  }
0x5a: {  	_ =	shalt  }
0x5b: {  	_ =	shalt  }
0x5c: {  	_ =	shalt  }
0x5d: {  	_ =	shalt  }
0x5e: {  	_ =	shalt  }
0x5f: {  	_ =	shalt  }
0x60: {  	_ =	shalt  }
0x61: {  	_ =	shalt  }
0x62: {  	_ =	shalt  }
0x63: {  	_ =	shalt  }
0x64: {  	_ =	shalt  }
0x65: {  	_ =	shalt  }
0x66: {  	_ =	shalt  }
0x67: {  	_ =	shalt  }
0x68: {  	_ =	shalt  }
0x69: {  	_ =	shalt  }
0x6a: {  	_ =	shalt  }
0x6b: {  	_ =	shalt  }
0x6c: {  	_ =	shalt  }
0x6d: {  	_ =	shalt  }
0x6e: {  	_ =	shalt  }
0x6f: {  	_ =	shalt  }
0x70: {  	_ =	shalt  }
0x71: {  	_ =	shalt  }
0x72: {  	_ =	shalt  }
0x73: {  	_ =	shalt  }
0x74: {  	_ =	shalt  }
0x75: {  	_ =	shalt  }
0x76: {  	_ =	shalt  }
0x77: {  	_ =	shalt  }
0x78: {  	_ =	shalt  }
0x79: {  	_ =	shalt  }
0x7a: {  	_ =	shalt  }
0x7b: {  	_ =	shalt  }
0x7c: {  	_ =	shalt  }
0x7d: {  	_ =	shalt  }
0x7e: {  	_ =	shalt  }
0x7f: {  	_ =	shalt  }
0x80: {  	_ =	shalt  }
0x81: {  	_ =	shalt  }
0x82: {  	_ =	shalt  }
0x83: {  	_ =	shalt  }
0x84: {  	_ =	shalt  }
0x85: {  	_ =	shalt  }
0x86: {  	_ =	shalt  }
0x87: {  	_ =	shalt  }
.Lfunc_end0:
.L_simem_size_0:
called_computation_lowered:
.L_overlay_start_0:
0x88: {  	s2 =	sld [smem:$0x3FD9]  }
0x89: {  	s3 =	sld [smem:$0x3FFE];
	_ =	sdelay $0x1  }
0x8a: {  	s1 =	srdreg.scid  }
0x8b: {  	s0 =	sand.u32 $0x1, s1  }
0x8c: {  	s16 =	sshll.u32 s0, $0xA;
	s2 =	sadd.s32 s3, s2  }
0x8d: {  	s2 =	sadd.s32 s2, s16  }
0x8e: {  	[smem:$0x3FBA] =	sst s2  }
0x8f: {  	_ = 	snop  }
0x90: {  	(tm) =	ssettm $0x1  }
0x91: {  	s17 =	sld [smem:$0x3FFB];
	_ =	sdelay $0x3  }
0x92: {  	_ =	strace s17  }
0x93: {  	s2 =	sld [smem:$0x3FFC];
	_ =	sdelay $0x3  }
0x94: {  	_ =	strace s2  }
0x95: {  	s2 =	sld [smem:$0x3FFD];
	_ =	sdelay $0x3  }
0x96: {  	_ =	strace s2  }
0x97: {  	_ =	strace $0x8FFFFFFF  }
0x98: {  	s18 =	sld [smem:$0x3FDB];
	_ =	sdelay $0x1  }
0x99: {  	s19 =	simm.s32 $_scs_section_size  }
0x9a: {  	s4 =	simm.s32 $_size__tile_overlayer_lowered;
	s5 =	simm.s32 $_tile_overlayer_lowered  }
0x9b: {  	s22 =	simm.s32 $0x1BFF;
	s21 =	sshll.u32 s5, $0x1;
	s2 =	sadd.s32 s19, s18  }
0x9c: {  	s6 =	simm.s32 $0x0;
	s20 =	sshll.u32 s4, $0x1;
	s4 =	sadd.s32 s21, s2  }
0x9d: {  	[timem:s6], [sflag:s22] =	dma.local [hbm:s4], s20  }
0x9e: {  	_ =	swait.ge [sflag:s22], s20  }
0x9f: {  	s3 =	ssub.s32 $0x0, s20;
	[sflag:s22] =	ssyncset.done $0x0  }
0xa0: {  	[sflag:s22] =	ssyncadd.s32 s3;
	_ =	sdelay $0x1  }
0xa1: {  	s23 =	simm.s32 $0x1B8B  }
0xa2: {  	_ =	swait.ge [sflag:s23], $0x1  }
0xa3: {  	[sflag:s23] =	ssyncset.done $0x0  }
0xa4: {  	s25 =	simm.s32 $0x1B8E;
	s24 =	sld [smem:$0x3FFE];
	[sflag:s23] =	ssyncadd.s32 $0xFFFFFFFF  }
0xa5: {  	s26 =	simm.s32 $execute0_lowered;
	[smem:$0x3FD2] =	sst s25  }
0xa6: {  	s4 =	sshll.u32 s26, $0x1;
	_ =	strace $0x80000046;
	[dreg:$0x1] =	wrdreg $0xFFFFFFFF  }
0xa7: {  	s28 =	simm.s32 $_size_execute0_lowered;
	s2 =	sadd.s32 s2, s4;
	[dreg:$0x0] =	wrdreg $0x0  }
0xa8: {  	s4 =	sshll.u32 s28, $0x1;
	[dreg:$0x2] =	wrdreg s2  }
0xa9: {  	[dreg:$0x3] =	wrdreg s4  }
0xaa: {  	[dreg:$0x4] =	wrdreg $0xC0  }
0xab: {  	_ =	task [dreg:s6], $0x5FFFF  }
0xac: {  	[dreg:$0x1] =	wrdreg $0xFFFFFFFF  }
0xad: {  	[dreg:$0x0] =	wrdreg $0x60  }
0xae: {  	[dreg:$0x2] =	wrdreg s24  }
0xaf: {  	[dreg:$0x3] =	wrdreg $0x100000  }
0xb0: {  	[dreg:$0x4] =	wrdreg $0x9  }
0xb1: {  	_ =	task.clear_ibuf [dreg:s6], $0x5FFFF;
	_ =	strace $0x90000046  }
0xb2: {  	s29 =	simm.s32 $0x9;
	_ =	strace $0x80000048  }
0xb3: {  	_ =	swait.ge [sflag:s29], $0x1  }
0xb4: {  	[sflag:s29] =	ssyncadd.s32 $0xFFFFFFFF  }
0xb5: {  	_ =	strace $0x90000048  }
0xb6: {  	_ =	sfence  }
0xb7: {  	s30 =	sld [smem:$0x0];
	_ =	sdelay $0x2  }
0xb8: {  	s31 =	sshll.u32 s1, $0xD;
	s1 =	sshrl.u32 s1, $0x2  }
0xb9: {  	s3 =	sand.u32 $0x4000, s31;
	s1 =	sadd.s32 s1, s30  }
0xba: {  	s0 =	sor.u32 s3, s0;
	s1 =	sshll.u32 s1, $0x11  }
0xbb: {  	s0 =	sor.u32 s1, s0  }
0xbc: {  	s0 =	sadd.s32 $0x8F2B, s0  }
0xbd: {  	[sflag:s0] =	ssyncadd.remote.s32 $0x1  }
0xbe: {  	_ =	sfence.sel $0xFFFF  }
0xbf: {  	[dreg:$0x0] =	wrdreg $0xFFFFFFFF;
	(pc) =	sbr.abs _section_cstart, $3  }
0xc0: {  	[dreg:$0x1] =	wrdreg $0xFFFFFFFF  }
0xc1: {  	_ =	task.clear_ibuf [dreg:s6], $0x2FFFF;
	_ =	strace $0x9FFFFFFF  }
0xc2: {  	(tm) =	ssettm $0x7FFFFFFF  }
0xc3: {  	_ =	shalt  }
tec
execute0_lowered:
.L_overlay_start_1:
0x0: {  	(tag) =	ssettag $0x1  }
0x1: {  	s3 =	rddreg [dreg:$0x0]  }
0x2: {  	s2 =	rddreg [dreg:$0x1];
	s4 =	srdreg.scid  }
0x3: {  	s0 =	rddreg [dreg:$0x2];
	s4 =	sand.u32 $0x1, s4  }
0x4: {  	s1 =	simm.s32 $0x0;
	s5 =	stileid.u32;
	s6 =	ssub.s32 $0x2, s4  }
0x5: {  	p1 =	por $0x0, $0x0;
	[smem:$0x7FF] =	sst s1;
	s8 =	sshrl.u32 s6, $0x1  }
0x6: {  	s12 =	sadd.s32 $0x100000, s3;
	s7 =	sshll.u32 s5, $0xF;
	s6 =	ssub.s32 s6, s8  }
0x7: {  	s15 =	sadd.s32 $0x80000, s3;
	p0 =	sne.s32 s5, $0x0;
	s16 =	smax.u32 s6, $0x1  }
0x8: {  	s5 =	simm.s32 $0x8000;
	s4 =	sshll.u32 s4, $0xE;
	s18 =	sadd.s32 $0xFFFFFFFF, s16  }
0x9: {  	_ =	strace $0x80000047;
	s4 =	sor.u32 s4, s7;
	p2 =	sne.s32 s18, $0x0  }
.Ltmp0:
0xa: {  	s14 =	sadd.s32 s3, s4;
	s7 =	sor.u32 $0x1000, s4;
	(pc) =	sbr.rel @!p2 .LBB2_3-.Ltmp0, $4  }
0xb: {  	s13 =	sadd.s32 s15, s4;
	s31 =	sor.u32 $0x2000, s4;
	s4 =	sor.u32 $0x3000, s4  }
0xc: {  	s11 =	sadd.s32 s3, s7;
	s10 =	sadd.s32 s15, s7;
	s9 =	sadd.s32 s3, s31  }
0xd: {  	s8 =	sadd.s32 s15, s31;
	s6 =	sadd.s32 s3, s4;
	s3 =	sadd.s32 s15, s4  }
0xe: {  	s15 =	sshrl.u32 @!p0 s2, $0x3;
	s4 =	simm.s32 $0x2;
	s7 =	simm.s32 $0x1  }
0xf: {  	s16 =	simm.s32 @!p0 $0x1C02;
	s17 =	simm.s32 @!p0 $0x2  }
0x10: {  	[spmem:s15], [sflag:s16] =	dma.local @!p0 [hbm:s12], $0x8000  }
0x11: {  	_ =	swait.ge @!p0 [sflag:s17], $0x8000  }
0x12: {  	[sflag:s17] =	ssyncset.done @!p0 $0x0  }
0x13: {  	[sflag:s17] =	ssyncadd.s32 @!p0 $0xFFFF8000  }
0x14: {  	[bflag:$0x0] =	sbarrier.arrive $0xFFFF  }
0x15: {  	[tilespmem:s1], [sflag:$0x2] =	stream.linear.gather [hbm4b:s14+s1], $0x8000, $0x38;
	[tilespmem:$0x14000] =	vst v63  }
0x16: {  	_ =	swait.ge [sflag:s4], $0x8000  }
0x17: {  	[sflag:s4] =	ssyncset.done $0x0  }
0x18: {  	[sflag:s4] =	ssyncadd.s32 $0xFFFF8000  }
0x19: {  	[tilespmem:s5], [sflag:$0x1] =	stream.indirect.gather [spmem:s2], $0x1, s1, s5, $0xb8;
	[tilespmem:$0x14000] =	vst v63  }
0x1a: {  	_ =	swait.ge [sflag:s7], $0x8000  }
0x1b: {  	[sflag:s7] =	ssyncset.done $0x0  }
0x1c: {  	[sflag:s7] =	ssyncadd.s32 $0xFFFF8000  }
0x1d: {  	[hbm4b:s13+s1] =	stream.linear.scatter [tilespmem:s5], [sflag:$0x2], $0x8000, $0x38;
	[tilespmem:$0x14000] =	vst v63  }
0x1e: {  	_ =	swait.ge [sflag:s4], $0x8000  }
0x1f: {  	[sflag:s4] =	ssyncset.done $0x0  }
0x20: {  	[sflag:s4] =	ssyncadd.s32 $0xFFFF8000  }
0x21: {  	[tilespmem:s1], [sflag:$0x2] =	stream.linear.gather [hbm4b:s11+s1], $0x8000, $0x38;
	[tilespmem:$0x14000] =	vst v63  }
0x22: {  	_ =	swait.ge [sflag:s4], $0x8000  }
0x23: {  	[sflag:s4] =	ssyncset.done $0x0  }
0x24: {  	[sflag:s4] =	ssyncadd.s32 $0xFFFF8000  }
0x25: {  	[tilespmem:s5], [sflag:$0x1] =	stream.indirect.gather [spmem:s2], $0x1, s1, s5, $0xb8;
	[tilespmem:$0x14000] =	vst v63  }
0x26: {  	_ =	swait.ge [sflag:s7], $0x8000  }
0x27: {  	[sflag:s7] =	ssyncset.done $0x0  }
0x28: {  	[sflag:s7] =	ssyncadd.s32 $0xFFFF8000  }
0x29: {  	[hbm4b:s10+s1] =	stream.linear.scatter [tilespmem:s5], [sflag:$0x2], $0x8000, $0x38;
	[tilespmem:$0x14000] =	vst v63  }
0x2a: {  	_ =	swait.ge [sflag:s4], $0x8000  }
0x2b: {  	[sflag:s4] =	ssyncset.done $0x0  }
0x2c: {  	[sflag:s4] =	ssyncadd.s32 $0xFFFF8000  }
0x2d: {  	[tilespmem:s1], [sflag:$0x2] =	stream.linear.gather [hbm4b:s9+s1], $0x8000, $0x38;
	[tilespmem:$0x14000] =	vst v63  }
0x2e: {  	_ =	swait.ge [sflag:s4], $0x8000  }
0x2f: {  	[sflag:s4] =	ssyncset.done $0x0  }
0x30: {  	[sflag:s4] =	ssyncadd.s32 $0xFFFF8000  }
0x31: {  	[tilespmem:s5], [sflag:$0x1] =	stream.indirect.gather [spmem:s2], $0x1, s1, s5, $0xb8;
	[tilespmem:$0x14000] =	vst v63  }
0x32: {  	_ =	swait.ge [sflag:s7], $0x8000  }
0x33: {  	[sflag:s7] =	ssyncset.done $0x0  }
0x34: {  	[sflag:s7] =	ssyncadd.s32 $0xFFFF8000  }
0x35: {  	[hbm4b:s8+s1] =	stream.linear.scatter [tilespmem:s5], [sflag:$0x2], $0x8000, $0x38;
	[tilespmem:$0x14000] =	vst v63  }
0x36: {  	_ =	swait.ge [sflag:s4], $0x8000  }
0x37: {  	[sflag:s4] =	ssyncset.done $0x0  }
0x38: {  	[sflag:s4] =	ssyncadd.s32 $0xFFFF8000  }
0x39: {  	[tilespmem:s1], [sflag:$0x2] =	stream.linear.gather [hbm4b:s6+s1], $0x8000, $0x38;
	[tilespmem:$0x14000] =	vst v63  }
0x3a: {  	_ =	swait.ge [sflag:s4], $0x8000  }
0x3b: {  	[sflag:s4] =	ssyncset.done $0x0  }
0x3c: {  	s18 =	sadd.s32 $0xFFFFFFFF, s18;
	[sflag:s4] =	ssyncadd.s32 $0xFFFF8000  }
0x3d: {  	[tilespmem:s5], [sflag:$0x1] =	stream.indirect.gather [spmem:s2], $0x1, s1, s5, $0xb8;
	[tilespmem:$0x14000] =	vst v63  }
0x3e: {  	p2 =	sne.s32 s18, $0x0;
	_ =	swait.ge [sflag:s7], $0x8000  }
.Ltmp1:
0x3f: {  	[sflag:s7] =	ssyncset.done $0x0;
	(pc) =	sbr.rel @!p2 .LBB2_3-.Ltmp1, $4  }
0x40: {  	[sflag:s7] =	ssyncadd.s32 $0xFFFF8000  }
0x41: {  	[hbm4b:s3+s1] =	stream.linear.scatter [tilespmem:s5], [sflag:$0x2], $0x8000, $0x38;
	[tilespmem:$0x14000] =	vst v63  }
0x42: {  	_ =	swait.ge [sflag:s4], $0x8000  }
0x43: {  	p1 =	por $0x1, $0x1;
	[sflag:s4] =	ssyncset.done $0x0  }
.LBB2_2:
0x44: {  	[sflag:s4] =	ssyncadd.s32 $0xFFFF8000  }
0x45: {  	[spmem:s15], [sflag:s16] =	dma.local @!p0 [hbm:s12], $0x8000  }
0x46: {  	s18 =	sadd.s32 $0xFFFFFFFF, s18;
	_ =	swait.ge @!p0 [sflag:s17], $0x8000  }
0x47: {  	p2 =	sne.s32 s18, $0x0;
	[sflag:s17] =	ssyncset.done @!p0 $0x0  }
0x48: {  	[sflag:s17] =	ssyncadd.s32 @!p0 $0xFFFF8000  }
0x49: {  	[bflag:$0x0] =	sbarrier.arrive $0xFFFF  }
0x4a: {  	[tilespmem:s1], [sflag:$0x2] =	stream.linear.gather [hbm4b:s14+s1], $0x8000, $0x38;
	[tilespmem:$0x14000] =	vst v63  }
0x4b: {  	_ =	swait.ge [sflag:s4], $0x8000  }
0x4c: {  	[sflag:s4] =	ssyncset.done $0x0  }
0x4d: {  	[sflag:s4] =	ssyncadd.s32 $0xFFFF8000  }
0x4e: {  	[tilespmem:s5], [sflag:$0x1] =	stream.indirect.gather [spmem:s2], $0x1, s1, s5, $0xb8;
	[tilespmem:$0x14000] =	vst v63  }
0x4f: {  	_ =	swait.ge [sflag:s7], $0x8000  }
0x50: {  	[sflag:s7] =	ssyncset.done $0x0  }
0x51: {  	[sflag:s7] =	ssyncadd.s32 $0xFFFF8000  }
0x52: {  	[hbm4b:s13+s1] =	stream.linear.scatter [tilespmem:s5], [sflag:$0x2], $0x8000, $0x38;
	[tilespmem:$0x14000] =	vst v63  }
0x53: {  	_ =	swait.ge [sflag:s4], $0x8000  }
0x54: {  	[sflag:s4] =	ssyncset.done $0x0  }
0x55: {  	[sflag:s4] =	ssyncadd.s32 $0xFFFF8000  }
0x56: {  	[tilespmem:s1], [sflag:$0x2] =	stream.linear.gather [hbm4b:s11+s1], $0x8000, $0x38;
	[tilespmem:$0x14000] =	vst v63  }
0x57: {  	_ =	swait.ge [sflag:s4], $0x8000  }
0x58: {  	[sflag:s4] =	ssyncset.done $0x0  }
0x59: {  	[sflag:s4] =	ssyncadd.s32 $0xFFFF8000  }
0x5a: {  	[tilespmem:s5], [sflag:$0x1] =	stream.indirect.gather [spmem:s2], $0x1, s1, s5, $0xb8;
	[tilespmem:$0x14000] =	vst v63  }
0x5b: {  	_ =	swait.ge [sflag:s7], $0x8000  }
0x5c: {  	[sflag:s7] =	ssyncset.done $0x0  }
0x5d: {  	[sflag:s7] =	ssyncadd.s32 $0xFFFF8000  }
0x5e: {  	[hbm4b:s10+s1] =	stream.linear.scatter [tilespmem:s5], [sflag:$0x2], $0x8000, $0x38;
	[tilespmem:$0x14000] =	vst v63  }
0x5f: {  	_ =	swait.ge [sflag:s4], $0x8000  }
0x60: {  	[sflag:s4] =	ssyncset.done $0x0  }
0x61: {  	[sflag:s4] =	ssyncadd.s32 $0xFFFF8000  }
0x62: {  	[tilespmem:s1], [sflag:$0x2] =	stream.linear.gather [hbm4b:s9+s1], $0x8000, $0x38;
	[tilespmem:$0x14000] =	vst v63  }
0x63: {  	_ =	swait.ge [sflag:s4], $0x8000  }
0x64: {  	[sflag:s4] =	ssyncset.done $0x0  }
0x65: {  	[sflag:s4] =	ssyncadd.s32 $0xFFFF8000  }
0x66: {  	[tilespmem:s5], [sflag:$0x1] =	stream.indirect.gather [spmem:s2], $0x1, s1, s5, $0xb8;
	[tilespmem:$0x14000] =	vst v63  }
0x67: {  	_ =	swait.ge [sflag:s7], $0x8000  }
0x68: {  	[sflag:s7] =	ssyncset.done $0x0  }
0x69: {  	[sflag:s7] =	ssyncadd.s32 $0xFFFF8000  }
0x6a: {  	[hbm4b:s8+s1] =	stream.linear.scatter [tilespmem:s5], [sflag:$0x2], $0x8000, $0x38;
	[tilespmem:$0x14000] =	vst v63  }
0x6b: {  	_ =	swait.ge [sflag:s4], $0x8000  }
0x6c: {  	[sflag:s4] =	ssyncset.done $0x0  }
0x6d: {  	[sflag:s4] =	ssyncadd.s32 $0xFFFF8000  }
0x6e: {  	[tilespmem:s1], [sflag:$0x2] =	stream.linear.gather [hbm4b:s6+s1], $0x8000, $0x38;
	[tilespmem:$0x14000] =	vst v63  }
0x6f: {  	_ =	swait.ge [sflag:s4], $0x8000  }
0x70: {  	[sflag:s4] =	ssyncset.done $0x0  }
0x71: {  	[sflag:s4] =	ssyncadd.s32 $0xFFFF8000  }
0x72: {  	[tilespmem:s5], [sflag:$0x1] =	stream.indirect.gather [spmem:s2], $0x1, s1, s5, $0xb8;
	[tilespmem:$0x14000] =	vst v63  }
0x73: {  	_ =	swait.ge [sflag:s7], $0x8000  }
.Ltmp2:
0x74: {  	[sflag:s7] =	ssyncset.done $0x0;
	(pc) =	sbr.rel @p2 .LBB2_2-.Ltmp2, $4  }
0x75: {  	[sflag:s7] =	ssyncadd.s32 $0xFFFF8000  }
0x76: {  	[hbm4b:s3+s1] =	stream.linear.scatter [tilespmem:s5], [sflag:$0x2], $0x8000, $0x38;
	[tilespmem:$0x14000] =	vst v63  }
0x77: {  	_ =	swait.ge [sflag:s4], $0x8000  }
0x78: {  	[sflag:s4] =	ssyncset.done $0x0  }
.LBB2_3:
0x79: {  	s16 =	simm.s32 @!p0 $0x1C02;
	s17 =	simm.s32 @!p0 $0x2;
	[sflag:s4] =	ssyncadd.s32 @p1 $0xFFFF8000  }
0x7a: {  	[spmem:s15], [sflag:s16] =	dma.local @!p0 [hbm:s12], $0x8000  }
0x7b: {  	_ =	swait.ge @!p0 [sflag:s17], $0x8000  }
0x7c: {  	[sflag:s17] =	ssyncset.done @!p0 $0x0  }
0x7d: {  	[sflag:s17] =	ssyncadd.s32 @!p0 $0xFFFF8000  }
0x7e: {  	[bflag:$0x0] =	sbarrier.arrive $0xFFFF  }
0x7f: {  	[tilespmem:s1], [sflag:$0x2] =	stream.linear.gather [hbm4b:s14+s1], $0x8000, $0x38;
	[tilespmem:$0x14000] =	vst v63  }
0x80: {  	_ =	swait.ge [sflag:s4], $0x8000  }
0x81: {  	[sflag:s4] =	ssyncset.done $0x0  }
0x82: {  	[sflag:s4] =	ssyncadd.s32 $0xFFFF8000  }
0x83: {  	[tilespmem:s5], [sflag:$0x1] =	stream.indirect.gather [spmem:s2], $0x1, s1, s5, $0xb8;
	[tilespmem:$0x14000] =	vst v63  }
0x84: {  	_ =	swait.ge [sflag:s7], $0x8000  }
0x85: {  	[sflag:s7] =	ssyncset.done $0x0  }
0x86: {  	[sflag:s7] =	ssyncadd.s32 $0xFFFF8000  }
0x87: {  	[hbm4b:s13+s1] =	stream.linear.scatter [tilespmem:s5], [sflag:$0x2], $0x8000, $0x38;
	[tilespmem:$0x14000] =	vst v63  }
0x88: {  	_ =	swait.ge [sflag:s4], $0x8000  }
0x89: {  	[sflag:s4] =	ssyncset.done $0x0  }
0x8a: {  	[sflag:s4] =	ssyncadd.s32 $0xFFFF8000  }
0x8b: {  	[tilespmem:s1], [sflag:$0x2] =	stream.linear.gather [hbm4b:s11+s1], $0x8000, $0x38;
	[tilespmem:$0x14000] =	vst v63  }
0x8c: {  	_ =	swait.ge [sflag:s4], $0x8000  }
0x8d: {  	[sflag:s4] =	ssyncset.done $0x0  }
0x8e: {  	[sflag:s4] =	ssyncadd.s32 $0xFFFF8000  }
0x8f: {  	[tilespmem:s5], [sflag:$0x1] =	stream.indirect.gather [spmem:s2], $0x1, s1, s5, $0xb8;
	[tilespmem:$0x14000] =	vst v63  }
0x90: {  	_ =	swait.ge [sflag:s7], $0x8000  }
0x91: {  	[sflag:s7] =	ssyncset.done $0x0  }
0x92: {  	[sflag:s7] =	ssyncadd.s32 $0xFFFF8000  }
0x93: {  	[hbm4b:s10+s1] =	stream.linear.scatter [tilespmem:s5], [sflag:$0x2], $0x8000, $0x38;
	[tilespmem:$0x14000] =	vst v63  }
0x94: {  	_ =	swait.ge [sflag:s4], $0x8000  }
0x95: {  	[sflag:s4] =	ssyncset.done $0x0  }
0x96: {  	[sflag:s4] =	ssyncadd.s32 $0xFFFF8000  }
0x97: {  	[tilespmem:s1], [sflag:$0x2] =	stream.linear.gather [hbm4b:s9+s1], $0x8000, $0x38;
	[tilespmem:$0x14000] =	vst v63  }
0x98: {  	_ =	swait.ge [sflag:s4], $0x8000  }
0x99: {  	[sflag:s4] =	ssyncset.done $0x0  }
0x9a: {  	[sflag:s4] =	ssyncadd.s32 $0xFFFF8000  }
0x9b: {  	[tilespmem:s5], [sflag:$0x1] =	stream.indirect.gather [spmem:s2], $0x1, s1, s5, $0xb8;
	[tilespmem:$0x14000] =	vst v63  }
0x9c: {  	_ =	swait.ge [sflag:s7], $0x8000  }
0x9d: {  	[sflag:s7] =	ssyncset.done $0x0  }
0x9e: {  	[sflag:s7] =	ssyncadd.s32 $0xFFFF8000  }
0x9f: {  	[hbm4b:s8+s1] =	stream.linear.scatter [tilespmem:s5], [sflag:$0x2], $0x8000, $0x38;
	[tilespmem:$0x14000] =	vst v63  }
0xa0: {  	_ =	swait.ge [sflag:s4], $0x8000  }
0xa1: {  	[sflag:s4] =	ssyncset.done $0x0  }
0xa2: {  	[sflag:s4] =	ssyncadd.s32 $0xFFFF8000  }
0xa3: {  	[tilespmem:s1], [sflag:$0x2] =	stream.linear.gather [hbm4b:s6+s1], $0x8000, $0x38;
	[tilespmem:$0x14000] =	vst v63  }
0xa4: {  	_ =	swait.ge [sflag:s4], $0x8000  }
0xa5: {  	[sflag:s4] =	ssyncset.done $0x0  }
0xa6: {  	[sflag:s4] =	ssyncadd.s32 $0xFFFF8000  }
0xa7: {  	[tilespmem:s5], [sflag:$0x1] =	stream.indirect.gather [spmem:s2], $0x1, s1, s5, $0xb8;
	[tilespmem:$0x14000] =	vst v63  }
0xa8: {  	_ =	swait.ge [sflag:s7], $0x8000  }
0xa9: {  	[sflag:s7] =	ssyncset.done $0x0  }
0xaa: {  	[sflag:s7] =	ssyncadd.s32 $0xFFFF8000  }
0xab: {  	[hbm4b:s3+s1] =	stream.linear.scatter [tilespmem:s5], [sflag:$0x2], $0x8000, $0x38;
	[tilespmem:$0x14000] =	vst v63  }
0xac: {  	_ =	swait.ge [sflag:s4], $0x8000  }
0xad: {  	[sflag:s4] =	ssyncset.done $0x0  }
0xae: {  	[sflag:s4] =	ssyncadd.s32 $0xFFFF8000  }
0xaf: {  	_ =	sfence.sel $0x180000  }
0xb0: {  	[bflag:$0x0] =	sbarrier.arrive $0xFFFF  }
0xb1: {  	_ =	strace $0x90000047  }
0xb2: {  	s0 =	sadd.s32 @!p0 $0x100000, s0;
	[bflag:$0x2] =	sbarrier.arrive $0xFFFF  }
0xb3: {  	[sflag:s0] =	ssyncadd.tile.s32 @!p0 $0x1;
	_ =	shalt  }
.Lfunc_end2:
_tile_overlayer_lowered:
.L_overlay_start_2:
0xb4: {  	(tag) =	ssettag $0x2  }
0xb5: {  	s0 =	rddreg [dreg:$0x0];
	s2 =	stileid.u32  }
0xb6: {  	s1 =	rddreg [dreg:$0x1];
	p0 =	sne.s32 s2, $0x0  }
0xb7: {  	s3 =	rddreg [dreg:$0x2];
	[bflag:$0x3] =	sbarrier.arrive $0xFFFF;
	s2 =	simm.s32 @!p0 $0x1C02  }
0xb8: {  	[timem:s3], [sflag:s2] =	dma.local @!p0 [hbm:s0], s1  }
0xb9: {  	s0 =	simm.s32 @!p0 $0x2  }
0xba: {  	_ =	swait.ge @!p0 [sflag:s0], s1  }
0xbb: {  	s1 =	ssub.s32 @!p0 $0x0, s1;
	[sflag:s0] =	ssyncset.done @!p0 $0x0  }
0xbc: {  	[sflag:s0] =	ssyncadd.s32 @!p0 s1  }
0xbd: {  	[bflag:$0x3] =	sbarrier.arrive $0xFFFF  }
0xbe: {  	_ =	shalt  }

</sc_bundles>
